<compile_context>
chip_gen: v7x
topology: tpu7x:2x2x1
jax: 0.10.2.dev20260603
libtpu: 0.0.44.dev20260713+nightly
codegen_flags: <defaults>
</compile_context>

<pallas_src>
import functools

import jax
import jax.numpy as jnp
from jax import lax
from jax.experimental import pallas as pl
from jax.experimental.pallas import tpu as pltpu
from jax.experimental.pallas import tpu_sc as plsc

V = 1000000
D = 64
B = 4096
S = 200
C = 100
CPAD = 128

NC, NS = 2, 16
NW = NC * NS
BPW = B // NW
CHUNK = 100
NSLOT = S // CHUNK
GPW = BPW * NSLOT
NEG = float("-inf")

VB = 16384


def _tc_pack(table_t):

    def tr(ta_ref, tb_ref, o_ref):
        tcat = jnp.concatenate([ta_ref[...], tb_ref[...]], axis=0)
        o_ref[...] = jnp.swapaxes(tcat, 0, 1)

    nspan = pl.cdiv(V, 2 * VB)
    nblk = pl.cdiv(V, VB) - 1
    return pl.pallas_call(
        tr,
        grid=(nspan,),
        in_specs=[
            pl.BlockSpec((D, VB), lambda i: (0, 2 * i)),
            pl.BlockSpec((D, VB), lambda i: (0, jnp.minimum(2 * i + 1, nblk))),
        ],
        out_specs=pl.BlockSpec((VB, 128), lambda i: (i, 0)),
        out_shape=jax.ShapeDtypeStruct((nspan * VB, 128), jnp.float32),
    )(table_t, table_t)


def _sc_gather_maxpool(x2, table_lin):
    mesh = plsc.VectorSubcoreMesh(core_axis_name="c", subcore_axis_name="s")

    @functools.partial(
        pl.kernel,
        out_type=jax.ShapeDtypeStruct((B, D), jnp.float32),
        mesh=mesh,
        compiler_params=pltpu.CompilerParams(use_tc_tiling_on_sc=False),
        scratch_types=[
            pltpu.VMEM((GPW, CHUNK), jnp.int32),
            pltpu.VMEM((CHUNK, D), jnp.float32),
            pltpu.VMEM((CHUNK, D), jnp.float32),
            pltpu.VMEM((CHUNK, D), jnp.float32),
            pltpu.VMEM((CHUNK, D), jnp.float32),
            pltpu.VMEM((BPW, D), jnp.float32),
            pltpu.SemaphoreType.DMA,
            pltpu.SemaphoreType.DMA,
            pltpu.SemaphoreType.DMA,
            pltpu.SemaphoreType.DMA,
        ],
    )
    def k(x_hbm, table_hbm, out_hbm, idx_v, buf0, buf1, buf2, buf3, out_v,
          sem0, sem1, sem2, sem3):
        wid = lax.axis_index("s") * NC + lax.axis_index("c")
        pltpu.sync_copy(x_hbm.at[pl.ds(wid * GPW, GPW)], idx_v)
        bufs = (buf0, buf1, buf2, buf3)
        sems = (sem0, sem1, sem2, sem3)
        for r in range(4):
            pltpu.async_copy(table_hbm.at[idx_v.at[r]], bufs[r], sems[r])

        def pool_pair(pp, carry):
            for half in range(2):
                p = 2 * pp + half
                accs = tuple(jnp.full((16,), NEG, jnp.float32) for _ in range(4))
                for slot in range(NSLOT):
                    g = 4 * pp + NSLOT * half + slot
                    ring = 2 * half + slot
                    buf = bufs[ring]
                    sem = sems[ring]
                    pltpu.make_async_copy(table_hbm.at[idx_v.at[g]], buf, sem).wait()

                    def step(jj, a, buf=buf):
                        res = list(a)
                        for u in range(10):
                            j = jj * 10 + u
                            for q in range(4):
                                res[q] = jnp.maximum(
                                    res[q], buf[j, pl.ds(16 * q, 16)])
                        return tuple(res)

                    accs = lax.fori_loop(0, CHUNK // 10, step, accs)

                    @pl.when(pp < BPW // 2 - 1)
                    def _(g=g, buf=buf, sem=sem):
                        pltpu.async_copy(table_hbm.at[idx_v.at[g + 4]], buf, sem)

                for q in range(4):
                    out_v[p, pl.ds(16 * q, 16)] = accs[q]
            return carry

        lax.fori_loop(0, BPW // 2, pool_pair, 0)
        pltpu.sync_copy(out_v, out_hbm.at[pl.ds(wid * BPW, BPW)])

    return k(x2, table_lin)


def _tc_linear(pooled, w_pad, b_pad):

    def mm(p_ref, w_ref, b_ref, o_ref):
        o_ref[...] = (
            lax.dot_general(
                p_ref[...], w_ref[...], (((1,), (1,)), ((), ())),
                preferred_element_type=jnp.float32,
            )
            + b_ref[...]
        )

    return pl.pallas_call(
        mm,
        out_shape=jax.ShapeDtypeStruct((B, CPAD), jnp.float32),
    )(pooled, w_pad, b_pad)


def kernel(x, table, W, b):
    x = x.astype(jnp.int32)
    hs = VB.bit_length() - 1
    sp = x >> (hs + 1)
    w = x & (2 * VB - 1)
    x2 = ((sp << (hs + 1)) + ((w & (VB - 1)) << 1) + (w >> hs)).reshape(
        B * S // CHUNK, CHUNK)
    table_lin = _tc_pack(table.T).reshape(-1, D)
    pooled = _sc_gather_maxpool(x2, table_lin)
    w_pad = jnp.zeros((CPAD, D), jnp.float32).at[:C].set(W)
    b_pad = jnp.zeros((1, CPAD), jnp.float32).at[0, :C].set(b)
    return _tc_linear(pooled, w_pad, b_pad)[:, :C]

# --- scband reference (transcript-rebuilt; emitter-appended) ---
"""Pipeline reference for scband-baseline-model-76287209112212 (READ-ONLY COPY).

The authoritative reference and input builder live on the scoring server;
editing this copy changes nothing except your own understanding.
"""

import jax, jax.numpy as jnp
import numpy as np

VOCAB = 1000000
EMBED_DIM = 64
NUM_CLASSES = 100
BATCH = 4096
SEQ = 200

def setup_inputs(seed: int = 0) -> dict:
    key = jax.random.key(seed)
    k1, k2, k3, k4 = jax.random.split(key, 4)
    x = jax.random.randint(k1, (BATCH, SEQ), 0, VOCAB, dtype=jnp.int64 if jax.config.jax_enable_x64 else jnp.int32)
    table = jax.random.normal(k2, (VOCAB, EMBED_DIM), dtype=jnp.float32)
    W = jax.random.normal(k3, (NUM_CLASSES, EMBED_DIM), dtype=jnp.float32) * (1.0 / np.sqrt(EMBED_DIM))
    b = jax.random.normal(k4, (NUM_CLASSES,), dtype=jnp.float32) * 0.01
    return {"x": x, "table": table, "W": W, "b": b}

def reference(x, table, W, b):
    # embedding lookup (gather)
    embedded = jnp.take(table, x, axis=0)            # [B, S, D]
    # max pool over sequence dim
    pooled = jnp.max(embedded, axis=1)               # [B, D]
    # linear projection
    output = pooled @ W.T + b                        # [B, C]
    return output

if __name__ == "__main__":
    import jax
    _d = setup_inputs()
    print(jax.jit(kernel)(*tuple(_d.values())))

</pallas_src>

<mosaic_0001>
#map = affine_map<(d0, d1) -> (0, 0)>
module attributes {stable_mosaic.version = 14 : i64} {
  func.func @k(%arg0: i32, %arg1: i32, %arg2: memref<8192x100xi32, #tpu.memory_space<hbm>>, %arg3: memref<1015808x64xf32, #tpu.memory_space<hbm>>, %arg4: memref<4096x64xf32, #tpu.memory_space<hbm>>, %arg5: memref<256x100xi32, #tpu.memory_space<vmem>>, %arg6: memref<100x64xf32, #tpu.memory_space<vmem>>, %arg7: memref<100x64xf32, #tpu.memory_space<vmem>>, %arg8: memref<100x64xf32, #tpu.memory_space<vmem>>, %arg9: memref<100x64xf32, #tpu.memory_space<vmem>>, %arg10: memref<128x64xf32, #tpu.memory_space<vmem>>, %arg11: memref<!tpu.dma_semaphore, #tpu.memory_space<semaphore_mem>>, %arg12: memref<!tpu.dma_semaphore, #tpu.memory_space<semaphore_mem>>, %arg13: memref<!tpu.dma_semaphore, #tpu.memory_space<semaphore_mem>>, %arg14: memref<!tpu.dma_semaphore, #tpu.memory_space<semaphore_mem>>) attributes {dimension_semantics = [#tpu.dimension_semantics<core_parallel>, #tpu.dimension_semantics<subcore_parallel>], iteration_bounds = array<i64: 2, 16>, scalar_prefetch = 0 : i64, scratch_operands = 10 : i64, tpu.core_type = #tpu.core_type<sc_vector_subcore>, window_params = [{transform_indices = #map}, {transform_indices = #map}, {transform_indices = #map}]} {
    %mul3A = arith.constant 2 : i32
    %mul3A_0 = arith.muli %arg1, %mul3A : i32
    %add3A = arith.addi %mul3A_0, %arg0 : i32
    %mul3A_1 = arith.constant 256 : i32
    %mul3A_2 = arith.muli %add3A, %mul3A_1 : i32
    "tpu.region"() ({
      %run_scoped3A = tpu.sem_alloc : memref<!tpu.dma_semaphore, #tpu.memory_space<semaphore_mem>>
      %dma_start3A_37 = arith.constant 0 : i32
      %dma_start3A_38 = tpu.memref_slice %arg2[%mul3A_2, %dma_start3A_37] : memref<8192x100xi32, #tpu.memory_space<hbm>> -> memref<256x100xi32, #tpu.memory_space<hbm>>
      %dma_start3A_39 = arith.constant 0 : i32
      %dma_start3A_40 = tpu.memref_slice %arg2[%mul3A_2, %dma_start3A_39] : memref<8192x100xi32, #tpu.memory_space<hbm>> -> memref<256x100xi32, #tpu.memory_space<hbm>>
      tpu.enqueue_dma source(%dma_start3A_40 : memref<256x100xi32, #tpu.memory_space<hbm>>) target(%arg5 : memref<256x100xi32, #tpu.memory_space<vmem>>) target_semaphore(%run_scoped3A : memref<!tpu.dma_semaphore, #tpu.memory_space<semaphore_mem>>)
      %dma_wait3A = arith.constant 0 : i32
      %dma_wait3A_41 = tpu.memref_slice %arg2[%mul3A_2, %dma_wait3A] : memref<8192x100xi32, #tpu.memory_space<hbm>> -> memref<256x100xi32, #tpu.memory_space<hbm>>
      %dma_wait3A_42 = arith.constant 0 : i32
      %dma_wait3A_43 = tpu.memref_slice %arg2[%mul3A_2, %dma_wait3A_42] : memref<8192x100xi32, #tpu.memory_space<hbm>> -> memref<256x100xi32, #tpu.memory_space<hbm>>
      tpu.wait_dma2 semaphore(%run_scoped3A : memref<!tpu.dma_semaphore, #tpu.memory_space<semaphore_mem>>) src(%dma_wait3A_43 : memref<256x100xi32, #tpu.memory_space<hbm>>) dst(%arg5 : memref<256x100xi32, #tpu.memory_space<vmem>>)
      tpu.yield
    }) : () -> ()
    %dma_start3A = arith.constant 0 : i32
    %dma_start3A_3 = arith.constant 0 : i32
    %dma_start3A_4 = tpu.memref_slice %arg5[%dma_start3A, %dma_start3A_3] : memref<256x100xi32, #tpu.memory_space<vmem>> -> memref<1x100xi32, #tpu.memory_space<vmem>>
    %dma_start3A_5 = tpu.memref_squeeze %dma_start3A_4 : memref<1x100xi32, #tpu.memory_space<vmem>> -> memref<100xi32, #tpu.memory_space<vmem>>
    %dma_start3A_6 = arith.constant 0 : i32
    %dma_start3A_7 = arith.constant 0 : i32
    %dma_start3A_8 = tpu.memref_slice %arg3[%dma_start3A_6, %dma_start3A_7] : memref<1015808x64xf32, #tpu.memory_space<hbm>> -> memref<1015808x64xf32, #tpu.memory_space<hbm>>
    tpu.enqueue_indirect_dma source(%dma_start3A_8 : memref<1015808x64xf32, #tpu.memory_space<hbm>>) target(%arg6 : memref<100x64xf32, #tpu.memory_space<vmem>>) offsets(%dma_start3A_5 : memref<100xi32, #tpu.memory_space<vmem>>) semaphore(%arg11 : memref<!tpu.dma_semaphore, #tpu.memory_space<semaphore_mem>>)
    %dma_start3A_9 = arith.constant 1 : i32
    %dma_start3A_10 = arith.constant 0 : i32
    %dma_start3A_11 = tpu.memref_slice %arg5[%dma_start3A_9, %dma_start3A_10] : memref<256x100xi32, #tpu.memory_space<vmem>> -> memref<1x100xi32, #tpu.memory_space<vmem>>
    %dma_start3A_12 = tpu.memref_squeeze %dma_start3A_11 : memref<1x100xi32, #tpu.memory_space<vmem>> -> memref<100xi32, #tpu.memory_space<vmem>>
    %dma_start3A_13 = arith.constant 0 : i32
    %dma_start3A_14 = arith.constant 0 : i32
    %dma_start3A_15 = tpu.memref_slice %arg3[%dma_start3A_13, %dma_start3A_14] : memref<1015808x64xf32, #tpu.memory_space<hbm>> -> memref<1015808x64xf32, #tpu.memory_space<hbm>>
    tpu.enqueue_indirect_dma source(%dma_start3A_15 : memref<1015808x64xf32, #tpu.memory_space<hbm>>) target(%arg7 : memref<100x64xf32, #tpu.memory_space<vmem>>) offsets(%dma_start3A_12 : memref<100xi32, #tpu.memory_space<vmem>>) semaphore(%arg12 : memref<!tpu.dma_semaphore, #tpu.memory_space<semaphore_mem>>)
    %dma_start3A_16 = arith.constant 2 : i32
    %dma_start3A_17 = arith.constant 0 : i32
    %dma_start3A_18 = tpu.memref_slice %arg5[%dma_start3A_16, %dma_start3A_17] : memref<256x100xi32, #tpu.memory_space<vmem>> -> memref<1x100xi32, #tpu.memory_space<vmem>>
    %dma_start3A_19 = tpu.memref_squeeze %dma_start3A_18 : memref<1x100xi32, #tpu.memory_space<vmem>> -> memref<100xi32, #tpu.memory_space<vmem>>
    %dma_start3A_20 = arith.constant 0 : i32
    %dma_start3A_21 = arith.constant 0 : i32
    %dma_start3A_22 = tpu.memref_slice %arg3[%dma_start3A_20, %dma_start3A_21] : memref<1015808x64xf32, #tpu.memory_space<hbm>> -> memref<1015808x64xf32, #tpu.memory_space<hbm>>
    tpu.enqueue_indirect_dma source(%dma_start3A_22 : memref<1015808x64xf32, #tpu.memory_space<hbm>>) target(%arg8 : memref<100x64xf32, #tpu.memory_space<vmem>>) offsets(%dma_start3A_19 : memref<100xi32, #tpu.memory_space<vmem>>) semaphore(%arg13 : memref<!tpu.dma_semaphore, #tpu.memory_space<semaphore_mem>>)
    %dma_start3A_23 = arith.constant 3 : i32
    %dma_start3A_24 = arith.constant 0 : i32
    %dma_start3A_25 = tpu.memref_slice %arg5[%dma_start3A_23, %dma_start3A_24] : memref<256x100xi32, #tpu.memory_space<vmem>> -> memref<1x100xi32, #tpu.memory_space<vmem>>
    %dma_start3A_26 = tpu.memref_squeeze %dma_start3A_25 : memref<1x100xi32, #tpu.memory_space<vmem>> -> memref<100xi32, #tpu.memory_space<vmem>>
    %dma_start3A_27 = arith.constant 0 : i32
    %dma_start3A_28 = arith.constant 0 : i32
    %dma_start3A_29 = tpu.memref_slice %arg3[%dma_start3A_27, %dma_start3A_28] : memref<1015808x64xf32, #tpu.memory_space<hbm>> -> memref<1015808x64xf32, #tpu.memory_space<hbm>>
    tpu.enqueue_indirect_dma source(%dma_start3A_29 : memref<1015808x64xf32, #tpu.memory_space<hbm>>) target(%arg9 : memref<100x64xf32, #tpu.memory_space<vmem>>) offsets(%dma_start3A_26 : memref<100xi32, #tpu.memory_space<vmem>>) semaphore(%arg14 : memref<!tpu.dma_semaphore, #tpu.memory_space<semaphore_mem>>)
    %scan3A = arith.constant 0 : i32
    %scan3A_30 = arith.constant 0 : i32
    %scan3A_31 = arith.constant 64 : i32
    %scan3A_32 = arith.addi %scan3A_30, %scan3A_31 : i32
    %scan3A_33 = arith.constant 1 : i32
    scf.for %scan3A_37 = %scan3A_30 to %scan3A_32 step %scan3A_33  : i32 {
      %mul3A_38 = arith.constant 2 : i32
      %mul3A_39 = arith.muli %mul3A_38, %scan3A_37 : i32
      %add3A_40 = arith.constant 0 : i32
      %add3A_41 = arith.addi %mul3A_39, %add3A_40 : i32
      %broadcast_in_dim3A = arith.constant 0xFF800000 : f32
      %broadcast_in_dim3A_42 = vector.broadcast %broadcast_in_dim3A : f32 to vector<16xf32>
      %broadcast_in_dim3A_43 = arith.constant 0xFF800000 : f32
      %broadcast_in_dim3A_44 = vector.broadcast %broadcast_in_dim3A_43 : f32 to vector<16xf32>
      %broadcast_in_dim3A_45 = arith.constant 0xFF800000 : f32
      %broadcast_in_dim3A_46 = vector.broadcast %broadcast_in_dim3A_45 : f32 to vector<16xf32>
      %broadcast_in_dim3A_47 = arith.constant 0xFF800000 : f32
      %broadcast_in_dim3A_48 = vector.broadcast %broadcast_in_dim3A_47 : f32 to vector<16xf32>
      %mul3A_49 = arith.constant 4 : i32
      %mul3A_50 = arith.muli %mul3A_49, %scan3A_37 : i32
      %add3A_51 = arith.constant 0 : i32
      %add3A_52 = arith.addi %mul3A_50, %add3A_51 : i32
      %add3A_53 = arith.constant 0 : i32
      %add3A_54 = arith.addi %add3A_52, %add3A_53 : i32
      %dma_wait3A = arith.constant 0 : i32
      %dma_wait3A_55 = tpu.memref_slice %arg5[%add3A_54, %dma_wait3A] : memref<256x100xi32, #tpu.memory_space<vmem>> -> memref<1x100xi32, #tpu.memory_space<vmem>>
      %dma_wait3A_56 = tpu.memref_squeeze %dma_wait3A_55 : memref<1x100xi32, #tpu.memory_space<vmem>> -> memref<100xi32, #tpu.memory_space<vmem>>
      %dma_wait3A_57 = arith.constant 0 : i32
      %dma_wait3A_58 = arith.constant 0 : i32
      %dma_wait3A_59 = tpu.memref_slice %arg3[%dma_wait3A_57, %dma_wait3A_58] : memref<1015808x64xf32, #tpu.memory_space<hbm>> -> memref<1015808x64xf32, #tpu.memory_space<hbm>>
      tpu.wait_indirect_dma semaphore(%arg11 : memref<!tpu.dma_semaphore, #tpu.memory_space<semaphore_mem>>) src(%dma_wait3A_59 : memref<1015808x64xf32, #tpu.memory_space<hbm>>) dst(%arg6 : memref<100x64xf32, #tpu.memory_space<vmem>>)
      %scan3A_60 = arith.constant 0 : i32
      %scan3A_61 = arith.constant 10 : i32
      %scan3A_62 = arith.addi %scan3A_60, %scan3A_61 : i32
      %scan3A_63 = arith.constant 1 : i32
      %scan3A_64:4 = scf.for %scan3A_188 = %scan3A_60 to %scan3A_62 step %scan3A_63 iter_args(%scan3A_189 = %broadcast_in_dim3A_42, %scan3A_190 = %broadcast_in_dim3A_44, %scan3A_191 = %broadcast_in_dim3A_46, %scan3A_192 = %broadcast_in_dim3A_48) -> (vector<16xf32>, vector<16xf32>, vector<16xf32>, vector<16xf32>)  : i32 {
        %mul3A_193 = arith.constant 10 : i32
        %mul3A_194 = arith.muli %scan3A_188, %mul3A_193 : i32
        %add3A_195 = arith.constant 0 : i32
        %add3A_196 = arith.addi %mul3A_194, %add3A_195 : i32
        %get3A = arith.index_cast %add3A_196 : i32 to index
        %get3A_197 = arith.constant 0 : index
        %get3A_198 = tpu.vector_load %arg6[%get3A, %get3A_197] {strides = array<i32>} : memref<100x64xf32, #tpu.memory_space<vmem>>, vector<1x16xf32>,
        %get3A_199 = vector.shape_cast %get3A_198 : vector<1x16xf32> to vector<16xf32>
        %max3A = arith.maximumf %scan3A_189, %get3A_199 : vector<16xf32>
        %get3A_200 = arith.index_cast %add3A_196 : i32 to index
        %get3A_201 = arith.constant 16 : index
        %get3A_202 = tpu.vector_load %arg6[%get3A_200, %get3A_201] {strides = array<i32>} : memref<100x64xf32, #tpu.memory_space<vmem>>, vector<1x16xf32>,
        %get3A_203 = vector.shape_cast %get3A_202 : vector<1x16xf32> to vector<16xf32>
        %max3A_204 = arith.maximumf %scan3A_190, %get3A_203 : vector<16xf32>
        %get3A_205 = arith.index_cast %add3A_196 : i32 to index
        %get3A_206 = arith.constant 32 : index
        %get3A_207 = tpu.vector_load %arg6[%get3A_205, %get3A_206] {strides = array<i32>} : memref<100x64xf32, #tpu.memory_space<vmem>>, vector<1x16xf32>,
        %get3A_208 = vector.shape_cast %get3A_207 : vector<1x16xf32> to vector<16xf32>
        %max3A_209 = arith.maximumf %scan3A_191, %get3A_208 : vector<16xf32>
        %get3A_210 = arith.index_cast %add3A_196 : i32 to index
        %get3A_211 = arith.constant 48 : index
        %get3A_212 = tpu.vector_load %arg6[%get3A_210, %get3A_211] {strides = array<i32>} : memref<100x64xf32, #tpu.memory_space<vmem>>, vector<1x16xf32>,
        %get3A_213 = vector.shape_cast %get3A_212 : vector<1x16xf32> to vector<16xf32>
        %max3A_214 = arith.maximumf %scan3A_192, %get3A_213 : vector<16xf32>
        %mul3A_215 = arith.constant 10 : i32
        %mul3A_216 = arith.muli %scan3A_188, %mul3A_215 : i32
        %add3A_217 = arith.constant 1 : i32
        %add3A_218 = arith.addi %mul3A_216, %add3A_217 : i32
        %get3A_219 = arith.index_cast %add3A_218 : i32 to index
        %get3A_220 = arith.constant 0 : index
        %get3A_221 = tpu.vector_load %arg6[%get3A_219, %get3A_220] {strides = array<i32>} : memref<100x64xf32, #tpu.memory_space<vmem>>, vector<1x16xf32>,
        %get3A_222 = vector.shape_cast %get3A_221 : vector<1x16xf32> to vector<16xf32>
        %max3A_223 = arith.maximumf %max3A, %get3A_222 : vector<16xf32>
        %get3A_224 = arith.index_cast %add3A_218 : i32 to index
        %get3A_225 = arith.constant 16 : index
        %get3A_226 = tpu.vector_load %arg6[%get3A_224, %get3A_225] {strides = array<i32>} : memref<100x64xf32, #tpu.memory_space<vmem>>, vector<1x16xf32>,
        %get3A_227 = vector.shape_cast %get3A_226 : vector<1x16xf32> to vector<16xf32>
        %max3A_228 = arith.maximumf %max3A_204, %get3A_227 : vector<16xf32>
        %get3A_229 = arith.index_cast %add3A_218 : i32 to index
        %get3A_230 = arith.constant 32 : index
        %get3A_231 = tpu.vector_load %arg6[%get3A_229, %get3A_230] {strides = array<i32>} : memref<100x64xf32, #tpu.memory_space<vmem>>, vector<1x16xf32>,
        %get3A_232 = vector.shape_cast %get3A_231 : vector<1x16xf32> to vector<16xf32>
        %max3A_233 = arith.maximumf %max3A_209, %get3A_232 : vector<16xf32>
        %get3A_234 = arith.index_cast %add3A_218 : i32 to index
        %get3A_235 = arith.constant 48 : index
        %get3A_236 = tpu.vector_load %arg6[%get3A_234, %get3A_235] {strides = array<i32>} : memref<100x64xf32, #tpu.memory_space<vmem>>, vector<1x16xf32>,
        %get3A_237 = vector.shape_cast %get3A_236 : vector<1x16xf32> to vector<16xf32>
        %max3A_238 = arith.maximumf %max3A_214, %get3A_237 : vector<16xf32>
        %mul3A_239 = arith.constant 10 : i32
        %mul3A_240 = arith.muli %scan3A_188, %mul3A_239 : i32
        %add3A_241 = arith.constant 2 : i32
        %add3A_242 = arith.addi %mul3A_240, %add3A_241 : i32
        %get3A_243 = arith.index_cast %add3A_242 : i32 to index
        %get3A_244 = arith.constant 0 : index
        %get3A_245 = tpu.vector_load %arg6[%get3A_243, %get3A_244] {strides = array<i32>} : memref<100x64xf32, #tpu.memory_space<vmem>>, vector<1x16xf32>,
        %get3A_246 = vector.shape_cast %get3A_245 : vector<1x16xf32> to vector<16xf32>
        %max3A_247 = arith.maximumf %max3A_223, %get3A_246 : vector<16xf32>
        %get3A_248 = arith.index_cast %add3A_242 : i32 to index
        %get3A_249 = arith.constant 16 : index
        %get3A_250 = tpu.vector_load %arg6[%get3A_248, %get3A_249] {strides = array<i32>} : memref<100x64xf32, #tpu.memory_space<vmem>>, vector<1x16xf32>,
        %get3A_251 = vector.shape_cast %get3A_250 : vector<1x16xf32> to vector<16xf32>
        %max3A_252 = arith.maximumf %max3A_228, %get3A_251 : vector<16xf32>
        %get3A_253 = arith.index_cast %add3A_242 : i32 to index
        %get3A_254 = arith.constant 32 : index
        %get3A_255 = tpu.vector_load %arg6[%get3A_253, %get3A_254] {strides = array<i32>} : memref<100x64xf32, #tpu.memory_space<vmem>>, vector<1x16xf32>,
        %get3A_256 = vector.shape_cast %get3A_255 : vector<1x16xf32> to vector<16xf32>
        %max3A_257 = arith.maximumf %max3A_233, %get3A_256 : vector<16xf32>
        %get3A_258 = arith.index_cast %add3A_242 : i32 to index
        %get3A_259 = arith.constant 48 : index
        %get3A_260 = tpu.vector_load %arg6[%get3A_258, %get3A_259] {strides = array<i32>} : memref<100x64xf32, #tpu.memory_space<vmem>>, vector<1x16xf32>,
        %get3A_261 = vector.shape_cast %get3A_260 : vector<1x16xf32> to vector<16xf32>
        %max3A_262 = arith.maximumf %max3A_238, %get3A_261 : vector<16xf32>
        %mul3A_263 = arith.constant 10 : i32
        %mul3A_264 = arith.muli %scan3A_188, %mul3A_263 : i32
        %add3A_265 = arith.constant 3 : i32
        %add3A_266 = arith.addi %mul3A_264, %add3A_265 : i32
        %get3A_267 = arith.index_cast %add3A_266 : i32 to index
        %get3A_268 = arith.constant 0 : index
        %get3A_269 = tpu.vector_load %arg6[%get3A_267, %get3A_268] {strides = array<i32>} : memref<100x64xf32, #tpu.memory_space<vmem>>, vector<1x16xf32>,
        %get3A_270 = vector.shape_cast %get3A_269 : vector<1x16xf32> to vector<16xf32>
        %max3A_271 = arith.maximumf %max3A_247, %get3A_270 : vector<16xf32>
        %get3A_272 = arith.index_cast %add3A_266 : i32 to index
        %get3A_273 = arith.constant 16 : index
        %get3A_274 = tpu.vector_load %arg6[%get3A_272, %get3A_273] {strides = array<i32>} : memref<100x64xf32, #tpu.memory_space<vmem>>, vector<1x16xf32>,
        %get3A_275 = vector.shape_cast %get3A_274 : vector<1x16xf32> to vector<16xf32>
        %max3A_276 = arith.maximumf %max3A_252, %get3A_275 : vector<16xf32>
        %get3A_277 = arith.index_cast %add3A_266 : i32 to index
        %get3A_278 = arith.constant 32 : index
        %get3A_279 = tpu.vector_load %arg6[%get3A_277, %get3A_278] {strides = array<i32>} : memref<100x64xf32, #tpu.memory_space<vmem>>, vector<1x16xf32>,
        %get3A_280 = vector.shape_cast %get3A_279 : vector<1x16xf32> to vector<16xf32>
        %max3A_281 = arith.maximumf %max3A_257, %get3A_280 : vector<16xf32>
        %get3A_282 = arith.index_cast %add3A_266 : i32 to index
        %get3A_283 = arith.constant 48 : index
        %get3A_284 = tpu.vector_load %arg6[%get3A_282, %get3A_283] {strides = array<i32>} : memref<100x64xf32, #tpu.memory_space<vmem>>, vector<1x16xf32>,
        %get3A_285 = vector.shape_cast %get3A_284 : vector<1x16xf32> to vector<16xf32>
        %max3A_286 = arith.maximumf %max3A_262, %get3A_285 : vector<16xf32>
        %mul3A_287 = arith.constant 10 : i32
        %mul3A_288 = arith.muli %scan3A_188, %mul3A_287 : i32
        %add3A_289 = arith.constant 4 : i32
        %add3A_290 = arith.addi %mul3A_288, %add3A_289 : i32
        %get3A_291 = arith.index_cast %add3A_290 : i32 to index
        %get3A_292 = arith.constant 0 : index
        %get3A_293 = tpu.vector_load %arg6[%get3A_291, %get3A_292] {strides = array<i32>} : memref<100x64xf32, #tpu.memory_space<vmem>>, vector<1x16xf32>,
        %get3A_294 = vector.shape_cast %get3A_293 : vector<1x16xf32> to vector<16xf32>
        %max3A_295 = arith.maximumf %max3A_271, %get3A_294 : vector<16xf32>
        %get3A_296 = arith.index_cast %add3A_290 : i32 to index
        %get3A_297 = arith.constant 16 : index
        %get3A_298 = tpu.vector_load %arg6[%get3A_296, %get3A_297] {strides = array<i32>} : memref<100x64xf32, #tpu.memory_space<vmem>>, vector<1x16xf32>,
        %get3A_299 = vector.shape_cast %get3A_298 : vector<1x16xf32> to vector<16xf32>
        %max3A_300 = arith.maximumf %max3A_276, %get3A_299 : vector<16xf32>
        %get3A_301 = arith.index_cast %add3A_290 : i32 to index
        %get3A_302 = arith.constant 32 : index
        %get3A_303 = tpu.vector_load %arg6[%get3A_301, %get3A_302] {strides = array<i32>} : memref<100x64xf32, #tpu.memory_space<vmem>>, vector<1x16xf32>,
        %get3A_304 = vector.shape_cast %get3A_303 : vector<1x16xf32> to vector<16xf32>
        %max3A_305 = arith.maximumf %max3A_281, %get3A_304 : vector<16xf32>
        %get3A_306 = arith.index_cast %add3A_290 : i32 to index
        %get3A_307 = arith.constant 48 : index
        %get3A_308 = tpu.vector_load %arg6[%get3A_306, %get3A_307] {strides = array<i32>} : memref<100x64xf32, #tpu.memory_space<vmem>>, vector<1x16xf32>,
        %get3A_309 = vector.shape_cast %get3A_308 : vector<1x16xf32> to vector<16xf32>
        %max3A_310 = arith.maximumf %max3A_286, %get3A_309 : vector<16xf32>
        %mul3A_311 = arith.constant 10 : i32
        %mul3A_312 = arith.muli %scan3A_188, %mul3A_311 : i32
        %add3A_313 = arith.constant 5 : i32
        %add3A_314 = arith.addi %mul3A_312, %add3A_313 : i32
        %get3A_315 = arith.index_cast %add3A_314 : i32 to index
        %get3A_316 = arith.constant 0 : index
        %get3A_317 = tpu.vector_load %arg6[%get3A_315, %get3A_316] {strides = array<i32>} : memref<100x64xf32, #tpu.memory_space<vmem>>, vector<1x16xf32>,
        %get3A_318 = vector.shape_cast %get3A_317 : vector<1x16xf32> to vector<16xf32>
        %max3A_319 = arith.maximumf %max3A_295, %get3A_318 : vector<16xf32>
        %get3A_320 = arith.index_cast %add3A_314 : i32 to index
        %get3A_321 = arith.constant 16 : index
        %get3A_322 = tpu.vector_load %arg6[%get3A_320, %get3A_321] {strides = array<i32>} : memref<100x64xf32, #tpu.memory_space<vmem>>, vector<1x16xf32>,
        %get3A_323 = vector.shape_cast %get3A_322 : vector<1x16xf32> to vector<16xf32>
        %max3A_324 = arith.maximumf %max3A_300, %get3A_323 : vector<16xf32>
        %get3A_325 = arith.index_cast %add3A_314 : i32 to index
        %get3A_326 = arith.constant 32 : index
        %get3A_327 = tpu.vector_load %arg6[%get3A_325, %get3A_326] {strides = array<i32>} : memref<100x64xf32, #tpu.memory_space<vmem>>, vector<1x16xf32>,
        %get3A_328 = vector.shape_cast %get3A_327 : vector<1x16xf32> to vector<16xf32>
        %max3A_329 = arith.maximumf %max3A_305, %get3A_328 : vector<16xf32>
        %get3A_330 = arith.index_cast %add3A_314 : i32 to index
        %get3A_331 = arith.constant 48 : index
        %get3A_332 = tpu.vector_load %arg6[%get3A_330, %get3A_331] {strides = array<i32>} : memref<100x64xf32, #tpu.memory_space<vmem>>, vector<1x16xf32>,
        %get3A_333 = vector.shape_cast %get3A_332 : vector<1x16xf32> to vector<16xf32>
        %max3A_334 = arith.maximumf %max3A_310, %get3A_333 : vector<16xf32>
        %mul3A_335 = arith.constant 10 : i32
        %mul3A_336 = arith.muli %scan3A_188, %mul3A_335 : i32
        %add3A_337 = arith.constant 6 : i32
        %add3A_338 = arith.addi %mul3A_336, %add3A_337 : i32
        %get3A_339 = arith.index_cast %add3A_338 : i32 to index
        %get3A_340 = arith.constant 0 : index
        %get3A_341 = tpu.vector_load %arg6[%get3A_339, %get3A_340] {strides = array<i32>} : memref<100x64xf32, #tpu.memory_space<vmem>>, vector<1x16xf32>,
        %get3A_342 = vector.shape_cast %get3A_341 : vector<1x16xf32> to vector<16xf32>
        %max3A_343 = arith.maximumf %max3A_319, %get3A_342 : vector<16xf32>
        %get3A_344 = arith.index_cast %add3A_338 : i32 to index
        %get3A_345 = arith.constant 16 : index
        %get3A_346 = tpu.vector_load %arg6[%get3A_344, %get3A_345] {strides = array<i32>} : memref<100x64xf32, #tpu.memory_space<vmem>>, vector<1x16xf32>,
        %get3A_347 = vector.shape_cast %get3A_346 : vector<1x16xf32> to vector<16xf32>
        %max3A_348 = arith.maximumf %max3A_324, %get3A_347 : vector<16xf32>
        %get3A_349 = arith.index_cast %add3A_338 : i32 to index
        %get3A_350 = arith.constant 32 : index
        %get3A_351 = tpu.vector_load %arg6[%get3A_349, %get3A_350] {strides = array<i32>} : memref<100x64xf32, #tpu.memory_space<vmem>>, vector<1x16xf32>,
        %get3A_352 = vector.shape_cast %get3A_351 : vector<1x16xf32> to vector<16xf32>
        %max3A_353 = arith.maximumf %max3A_329, %get3A_352 : vector<16xf32>
        %get3A_354 = arith.index_cast %add3A_338 : i32 to index
        %get3A_355 = arith.constant 48 : index
        %get3A_356 = tpu.vector_load %arg6[%get3A_354, %get3A_355] {strides = array<i32>} : memref<100x64xf32, #tpu.memory_space<vmem>>, vector<1x16xf32>,
        %get3A_357 = vector.shape_cast %get3A_356 : vector<1x16xf32> to vector<16xf32>
        %max3A_358 = arith.maximumf %max3A_334, %get3A_357 : vector<16xf32>
        %mul3A_359 = arith.constant 10 : i32
        %mul3A_360 = arith.muli %scan3A_188, %mul3A_359 : i32
        %add3A_361 = arith.constant 7 : i32
        %add3A_362 = arith.addi %mul3A_360, %add3A_361 : i32
        %get3A_363 = arith.index_cast %add3A_362 : i32 to index
        %get3A_364 = arith.constant 0 : index
        %get3A_365 = tpu.vector_load %arg6[%get3A_363, %get3A_364] {strides = array<i32>} : memref<100x64xf32, #tpu.memory_space<vmem>>, vector<1x16xf32>,
        %get3A_366 = vector.shape_cast %get3A_365 : vector<1x16xf32> to vector<16xf32>
        %max3A_367 = arith.maximumf %max3A_343, %get3A_366 : vector<16xf32>
        %get3A_368 = arith.index_cast %add3A_362 : i32 to index
        %get3A_369 = arith.constant 16 : index
        %get3A_370 = tpu.vector_load %arg6[%get3A_368, %get3A_369] {strides = array<i32>} : memref<100x64xf32, #tpu.memory_space<vmem>>, vector<1x16xf32>,
        %get3A_371 = vector.shape_cast %get3A_370 : vector<1x16xf32> to vector<16xf32>
        %max3A_372 = arith.maximumf %max3A_348, %get3A_371 : vector<16xf32>
        %get3A_373 = arith.index_cast %add3A_362 : i32 to index
        %get3A_374 = arith.constant 32 : index
        %get3A_375 = tpu.vector_load %arg6[%get3A_373, %get3A_374] {strides = array<i32>} : memref<100x64xf32, #tpu.memory_space<vmem>>, vector<1x16xf32>,
        %get3A_376 = vector.shape_cast %get3A_375 : vector<1x16xf32> to vector<16xf32>
        %max3A_377 = arith.maximumf %max3A_353, %get3A_376 : vector<16xf32>
        %get3A_378 = arith.index_cast %add3A_362 : i32 to index
        %get3A_379 = arith.constant 48 : index
        %get3A_380 = tpu.vector_load %arg6[%get3A_378, %get3A_379] {strides = array<i32>} : memref<100x64xf32, #tpu.memory_space<vmem>>, vector<1x16xf32>,
        %get3A_381 = vector.shape_cast %get3A_380 : vector<1x16xf32> to vector<16xf32>
        %max3A_382 = arith.maximumf %max3A_358, %get3A_381 : vector<16xf32>
        %mul3A_383 = arith.constant 10 : i32
        %mul3A_384 = arith.muli %scan3A_188, %mul3A_383 : i32
        %add3A_385 = arith.constant 8 : i32
        %add3A_386 = arith.addi %mul3A_384, %add3A_385 : i32
        %get3A_387 = arith.index_cast %add3A_386 : i32 to index
        %get3A_388 = arith.constant 0 : index
        %get3A_389 = tpu.vector_load %arg6[%get3A_387, %get3A_388] {strides = array<i32>} : memref<100x64xf32, #tpu.memory_space<vmem>>, vector<1x16xf32>,
        %get3A_390 = vector.shape_cast %get3A_389 : vector<1x16xf32> to vector<16xf32>
        %max3A_391 = arith.maximumf %max3A_367, %get3A_390 : vector<16xf32>
        %get3A_392 = arith.index_cast %add3A_386 : i32 to index
        %get3A_393 = arith.constant 16 : index
        %get3A_394 = tpu.vector_load %arg6[%get3A_392, %get3A_393] {strides = array<i32>} : memref<100x64xf32, #tpu.memory_space<vmem>>, vector<1x16xf32>,
        %get3A_395 = vector.shape_cast %get3A_394 : vector<1x16xf32> to vector<16xf32>
        %max3A_396 = arith.maximumf %max3A_372, %get3A_395 : vector<16xf32>
        %get3A_397 = arith.index_cast %add3A_386 : i32 to index
        %get3A_398 = arith.constant 32 : index
        %get3A_399 = tpu.vector_load %arg6[%get3A_397, %get3A_398] {strides = array<i32>} : memref<100x64xf32, #tpu.memory_space<vmem>>, vector<1x16xf32>,
        %get3A_400 = vector.shape_cast %get3A_399 : vector<1x16xf32> to vector<16xf32>
        %max3A_401 = arith.maximumf %max3A_377, %get3A_400 : vector<16xf32>
        %get3A_402 = arith.index_cast %add3A_386 : i32 to index
        %get3A_403 = arith.constant 48 : index
        %get3A_404 = tpu.vector_load %arg6[%get3A_402, %get3A_403] {strides = array<i32>} : memref<100x64xf32, #tpu.memory_space<vmem>>, vector<1x16xf32>,
        %get3A_405 = vector.shape_cast %get3A_404 : vector<1x16xf32> to vector<16xf32>
        %max3A_406 = arith.maximumf %max3A_382, %get3A_405 : vector<16xf32>
        %mul3A_407 = arith.constant 10 : i32
        %mul3A_408 = arith.muli %scan3A_188, %mul3A_407 : i32
        %add3A_409 = arith.constant 9 : i32
        %add3A_410 = arith.addi %mul3A_408, %add3A_409 : i32
        %get3A_411 = arith.index_cast %add3A_410 : i32 to index
        %get3A_412 = arith.constant 0 : index
        %get3A_413 = tpu.vector_load %arg6[%get3A_411, %get3A_412] {strides = array<i32>} : memref<100x64xf32, #tpu.memory_space<vmem>>, vector<1x16xf32>,
        %get3A_414 = vector.shape_cast %get3A_413 : vector<1x16xf32> to vector<16xf32>
        %max3A_415 = arith.maximumf %max3A_391, %get3A_414 : vector<16xf32>
        %get3A_416 = arith.index_cast %add3A_410 : i32 to index
        %get3A_417 = arith.constant 16 : index
        %get3A_418 = tpu.vector_load %arg6[%get3A_416, %get3A_417] {strides = array<i32>} : memref<100x64xf32, #tpu.memory_space<vmem>>, vector<1x16xf32>,
        %get3A_419 = vector.shape_cast %get3A_418 : vector<1x16xf32> to vector<16xf32>
        %max3A_420 = arith.maximumf %max3A_396, %get3A_419 : vector<16xf32>
        %get3A_421 = arith.index_cast %add3A_410 : i32 to index
        %get3A_422 = arith.constant 32 : index
        %get3A_423 = tpu.vector_load %arg6[%get3A_421, %get3A_422] {strides = array<i32>} : memref<100x64xf32, #tpu.memory_space<vmem>>, vector<1x16xf32>,
        %get3A_424 = vector.shape_cast %get3A_423 : vector<1x16xf32> to vector<16xf32>
        %max3A_425 = arith.maximumf %max3A_401, %get3A_424 : vector<16xf32>
        %get3A_426 = arith.index_cast %add3A_410 : i32 to index
        %get3A_427 = arith.constant 48 : index
        %get3A_428 = tpu.vector_load %arg6[%get3A_426, %get3A_427] {strides = array<i32>} : memref<100x64xf32, #tpu.memory_space<vmem>>, vector<1x16xf32>,
        %get3A_429 = vector.shape_cast %get3A_428 : vector<1x16xf32> to vector<16xf32>
        %max3A_430 = arith.maximumf %max3A_406, %get3A_429 : vector<16xf32>
        scf.yield %max3A_415, %max3A_420, %max3A_425, %max3A_430 : vector<16xf32>, vector<16xf32>, vector<16xf32>, vector<16xf32>
      }
      %scan3A_65 = arith.constant 10 : i32
      %lt3A = arith.constant 63 : i32
      %lt3A_66 = arith.cmpi slt, %scan3A_37, %lt3A : i32
      %convert_element_type3A = arith.extui %lt3A_66 : i1 to i32
      %cond3A = arith.constant 0 : i32
      %cond3A_67 = arith.cmpi ne, %convert_element_type3A, %cond3A : i32
      scf.if %cond3A_67 {
        %add3A_188 = arith.constant 4 : i32
        %add3A_189 = arith.addi %add3A_54, %add3A_188 : i32
        %dma_start3A_190 = arith.constant 0 : i32
        %dma_start3A_191 = tpu.memref_slice %arg5[%add3A_189, %dma_start3A_190] : memref<256x100xi32, #tpu.memory_space<vmem>> -> memref<1x100xi32, #tpu.memory_space<vmem>>
        %dma_start3A_192 = tpu.memref_squeeze %dma_start3A_191 : memref<1x100xi32, #tpu.memory_space<vmem>> -> memref<100xi32, #tpu.memory_space<vmem>>
        %dma_start3A_193 = arith.constant 0 : i32
        %dma_start3A_194 = arith.constant 0 : i32
        %dma_start3A_195 = tpu.memref_slice %arg3[%dma_start3A_193, %dma_start3A_194] : memref<1015808x64xf32, #tpu.memory_space<hbm>> -> memref<1015808x64xf32, #tpu.memory_space<hbm>>
        tpu.enqueue_indirect_dma source(%dma_start3A_195 : memref<1015808x64xf32, #tpu.memory_space<hbm>>) target(%arg6 : memref<100x64xf32, #tpu.memory_space<vmem>>) offsets(%dma_start3A_192 : memref<100xi32, #tpu.memory_space<vmem>>) semaphore(%arg11 : memref<!tpu.dma_semaphore, #tpu.memory_space<semaphore_mem>>)
      } else {
      }
      %mul3A_68 = arith.constant 4 : i32
      %mul3A_69 = arith.muli %mul3A_68, %scan3A_37 : i32
      %add3A_70 = arith.constant 0 : i32
      %add3A_71 = arith.addi %mul3A_69, %add3A_70 : i32
      %add3A_72 = arith.constant 1 : i32
      %add3A_73 = arith.addi %add3A_71, %add3A_72 : i32
      %dma_wait3A_74 = arith.constant 0 : i32
      %dma_wait3A_75 = tpu.memref_slice %arg5[%add3A_73, %dma_wait3A_74] : memref<256x100xi32, #tpu.memory_space<vmem>> -> memref<1x100xi32, #tpu.memory_space<vmem>>
      %dma_wait3A_76 = tpu.memref_squeeze %dma_wait3A_75 : memref<1x100xi32, #tpu.memory_space<vmem>> -> memref<100xi32, #tpu.memory_space<vmem>>
      %dma_wait3A_77 = arith.constant 0 : i32
      %dma_wait3A_78 = arith.constant 0 : i32
      %dma_wait3A_79 = tpu.memref_slice %arg3[%dma_wait3A_77, %dma_wait3A_78] : memref<1015808x64xf32, #tpu.memory_space<hbm>> -> memref<1015808x64xf32, #tpu.memory_space<hbm>>
      tpu.wait_indirect_dma semaphore(%arg12 : memref<!tpu.dma_semaphore, #tpu.memory_space<semaphore_mem>>) src(%dma_wait3A_79 : memref<1015808x64xf32, #tpu.memory_space<hbm>>) dst(%arg7 : memref<100x64xf32, #tpu.memory_space<vmem>>)
      %scan3A_80 = arith.constant 0 : i32
      %scan3A_81 = arith.constant 10 : i32
      %scan3A_82 = arith.addi %scan3A_80, %scan3A_81 : i32
      %scan3A_83 = arith.constant 1 : i32
      %scan3A_84:4 = scf.for %scan3A_188 = %scan3A_80 to %scan3A_82 step %scan3A_83 iter_args(%scan3A_189 = %scan3A_64#0, %scan3A_190 = %scan3A_64#1, %scan3A_191 = %scan3A_64#2, %scan3A_192 = %scan3A_64#3) -> (vector<16xf32>, vector<16xf32>, vector<16xf32>, vector<16xf32>)  : i32 {
        %mul3A_193 = arith.constant 10 : i32
        %mul3A_194 = arith.muli %scan3A_188, %mul3A_193 : i32
        %add3A_195 = arith.constant 0 : i32
        %add3A_196 = arith.addi %mul3A_194, %add3A_195 : i32
        %get3A = arith.index_cast %add3A_196 : i32 to index
        %get3A_197 = arith.constant 0 : index
        %get3A_198 = tpu.vector_load %arg7[%get3A, %get3A_197] {strides = array<i32>} : memref<100x64xf32, #tpu.memory_space<vmem>>, vector<1x16xf32>,
        %get3A_199 = vector.shape_cast %get3A_198 : vector<1x16xf32> to vector<16xf32>
        %max3A = arith.maximumf %scan3A_189, %get3A_199 : vector<16xf32>
        %get3A_200 = arith.index_cast %add3A_196 : i32 to index
        %get3A_201 = arith.constant 16 : index
        %get3A_202 = tpu.vector_load %arg7[%get3A_200, %get3A_201] {strides = array<i32>} : memref<100x64xf32, #tpu.memory_space<vmem>>, vector<1x16xf32>,
        %get3A_203 = vector.shape_cast %get3A_202 : vector<1x16xf32> to vector<16xf32>
        %max3A_204 = arith.maximumf %scan3A_190, %get3A_203 : vector<16xf32>
        %get3A_205 = arith.index_cast %add3A_196 : i32 to index
        %get3A_206 = arith.constant 32 : index
        %get3A_207 = tpu.vector_load %arg7[%get3A_205, %get3A_206] {strides = array<i32>} : memref<100x64xf32, #tpu.memory_space<vmem>>, vector<1x16xf32>,
        %get3A_208 = vector.shape_cast %get3A_207 : vector<1x16xf32> to vector<16xf32>
        %max3A_209 = arith.maximumf %scan3A_191, %get3A_208 : vector<16xf32>
        %get3A_210 = arith.index_cast %add3A_196 : i32 to index
        %get3A_211 = arith.constant 48 : index
        %get3A_212 = tpu.vector_load %arg7[%get3A_210, %get3A_211] {strides = array<i32>} : memref<100x64xf32, #tpu.memory_space<vmem>>, vector<1x16xf32>,
        %get3A_213 = vector.shape_cast %get3A_212 : vector<1x16xf32> to vector<16xf32>
        %max3A_214 = arith.maximumf %scan3A_192, %get3A_213 : vector<16xf32>
        %mul3A_215 = arith.constant 10 : i32
        %mul3A_216 = arith.muli %scan3A_188, %mul3A_215 : i32
        %add3A_217 = arith.constant 1 : i32
        %add3A_218 = arith.addi %mul3A_216, %add3A_217 : i32
        %get3A_219 = arith.index_cast %add3A_218 : i32 to index
        %get3A_220 = arith.constant 0 : index
        %get3A_221 = tpu.vector_load %arg7[%get3A_219, %get3A_220] {strides = array<i32>} : memref<100x64xf32, #tpu.memory_space<vmem>>, vector<1x16xf32>,
        %get3A_222 = vector.shape_cast %get3A_221 : vector<1x16xf32> to vector<16xf32>
        %max3A_223 = arith.maximumf %max3A, %get3A_222 : vector<16xf32>
        %get3A_224 = arith.index_cast %add3A_218 : i32 to index
        %get3A_225 = arith.constant 16 : index
        %get3A_226 = tpu.vector_load %arg7[%get3A_224, %get3A_225] {strides = array<i32>} : memref<100x64xf32, #tpu.memory_space<vmem>>, vector<1x16xf32>,
        %get3A_227 = vector.shape_cast %get3A_226 : vector<1x16xf32> to vector<16xf32>
        %max3A_228 = arith.maximumf %max3A_204, %get3A_227 : vector<16xf32>
        %get3A_229 = arith.index_cast %add3A_218 : i32 to index
        %get3A_230 = arith.constant 32 : index
        %get3A_231 = tpu.vector_load %arg7[%get3A_229, %get3A_230] {strides = array<i32>} : memref<100x64xf32, #tpu.memory_space<vmem>>, vector<1x16xf32>,
        %get3A_232 = vector.shape_cast %get3A_231 : vector<1x16xf32> to vector<16xf32>
        %max3A_233 = arith.maximumf %max3A_209, %get3A_232 : vector<16xf32>
        %get3A_234 = arith.index_cast %add3A_218 : i32 to index
        %get3A_235 = arith.constant 48 : index
        %get3A_236 = tpu.vector_load %arg7[%get3A_234, %get3A_235] {strides = array<i32>} : memref<100x64xf32, #tpu.memory_space<vmem>>, vector<1x16xf32>,
        %get3A_237 = vector.shape_cast %get3A_236 : vector<1x16xf32> to vector<16xf32>
        %max3A_238 = arith.maximumf %max3A_214, %get3A_237 : vector<16xf32>
        %mul3A_239 = arith.constant 10 : i32
        %mul3A_240 = arith.muli %scan3A_188, %mul3A_239 : i32
        %add3A_241 = arith.constant 2 : i32
        %add3A_242 = arith.addi %mul3A_240, %add3A_241 : i32
        %get3A_243 = arith.index_cast %add3A_242 : i32 to index
        %get3A_244 = arith.constant 0 : index
        %get3A_245 = tpu.vector_load %arg7[%get3A_243, %get3A_244] {strides = array<i32>} : memref<100x64xf32, #tpu.memory_space<vmem>>, vector<1x16xf32>,
        %get3A_246 = vector.shape_cast %get3A_245 : vector<1x16xf32> to vector<16xf32>
        %max3A_247 = arith.maximumf %max3A_223, %get3A_246 : vector<16xf32>
        %get3A_248 = arith.index_cast %add3A_242 : i32 to index
        %get3A_249 = arith.constant 16 : index
        %get3A_250 = tpu.vector_load %arg7[%get3A_248, %get3A_249] {strides = array<i32>} : memref<100x64xf32, #tpu.memory_space<vmem>>, vector<1x16xf32>,
        %get3A_251 = vector.shape_cast %get3A_250 : vector<1x16xf32> to vector<16xf32>
        %max3A_252 = arith.maximumf %max3A_228, %get3A_251 : vector<16xf32>
        %get3A_253 = arith.index_cast %add3A_242 : i32 to index
        %get3A_254 = arith.constant 32 : index
        %get3A_255 = tpu.vector_load %arg7[%get3A_253, %get3A_254] {strides = array<i32>} : memref<100x64xf32, #tpu.memory_space<vmem>>, vector<1x16xf32>,
        %get3A_256 = vector.shape_cast %get3A_255 : vector<1x16xf32> to vector<16xf32>
        %max3A_257 = arith.maximumf %max3A_233, %get3A_256 : vector<16xf32>
        %get3A_258 = arith.index_cast %add3A_242 : i32 to index
        %get3A_259 = arith.constant 48 : index
        %get3A_260 = tpu.vector_load %arg7[%get3A_258, %get3A_259] {strides = array<i32>} : memref<100x64xf32, #tpu.memory_space<vmem>>, vector<1x16xf32>,
        %get3A_261 = vector.shape_cast %get3A_260 : vector<1x16xf32> to vector<16xf32>
        %max3A_262 = arith.maximumf %max3A_238, %get3A_261 : vector<16xf32>
        %mul3A_263 = arith.constant 10 : i32
        %mul3A_264 = arith.muli %scan3A_188, %mul3A_263 : i32
        %add3A_265 = arith.constant 3 : i32
        %add3A_266 = arith.addi %mul3A_264, %add3A_265 : i32
        %get3A_267 = arith.index_cast %add3A_266 : i32 to index
        %get3A_268 = arith.constant 0 : index
        %get3A_269 = tpu.vector_load %arg7[%get3A_267, %get3A_268] {strides = array<i32>} : memref<100x64xf32, #tpu.memory_space<vmem>>, vector<1x16xf32>,
        %get3A_270 = vector.shape_cast %get3A_269 : vector<1x16xf32> to vector<16xf32>
        %max3A_271 = arith.maximumf %max3A_247, %get3A_270 : vector<16xf32>
        %get3A_272 = arith.index_cast %add3A_266 : i32 to index
        %get3A_273 = arith.constant 16 : index
        %get3A_274 = tpu.vector_load %arg7[%get3A_272, %get3A_273] {strides = array<i32>} : memref<100x64xf32, #tpu.memory_space<vmem>>, vector<1x16xf32>,
        %get3A_275 = vector.shape_cast %get3A_274 : vector<1x16xf32> to vector<16xf32>
        %max3A_276 = arith.maximumf %max3A_252, %get3A_275 : vector<16xf32>
        %get3A_277 = arith.index_cast %add3A_266 : i32 to index
        %get3A_278 = arith.constant 32 : index
        %get3A_279 = tpu.vector_load %arg7[%get3A_277, %get3A_278] {strides = array<i32>} : memref<100x64xf32, #tpu.memory_space<vmem>>, vector<1x16xf32>,
        %get3A_280 = vector.shape_cast %get3A_279 : vector<1x16xf32> to vector<16xf32>
        %max3A_281 = arith.maximumf %max3A_257, %get3A_280 : vector<16xf32>
        %get3A_282 = arith.index_cast %add3A_266 : i32 to index
        %get3A_283 = arith.constant 48 : index
        %get3A_284 = tpu.vector_load %arg7[%get3A_282, %get3A_283] {strides = array<i32>} : memref<100x64xf32, #tpu.memory_space<vmem>>, vector<1x16xf32>,
        %get3A_285 = vector.shape_cast %get3A_284 : vector<1x16xf32> to vector<16xf32>
        %max3A_286 = arith.maximumf %max3A_262, %get3A_285 : vector<16xf32>
        %mul3A_287 = arith.constant 10 : i32
        %mul3A_288 = arith.muli %scan3A_188, %mul3A_287 : i32
        %add3A_289 = arith.constant 4 : i32
        %add3A_290 = arith.addi %mul3A_288, %add3A_289 : i32
        %get3A_291 = arith.index_cast %add3A_290 : i32 to index
        %get3A_292 = arith.constant 0 : index
        %get3A_293 = tpu.vector_load %arg7[%get3A_291, %get3A_292] {strides = array<i32>} : memref<100x64xf32, #tpu.memory_space<vmem>>, vector<1x16xf32>,
        %get3A_294 = vector.shape_cast %get3A_293 : vector<1x16xf32> to vector<16xf32>
        %max3A_295 = arith.maximumf %max3A_271, %get3A_294 : vector<16xf32>
        %get3A_296 = arith.index_cast %add3A_290 : i32 to index
        %get3A_297 = arith.constant 16 : index
        %get3A_298 = tpu.vector_load %arg7[%get3A_296, %get3A_297] {strides = array<i32>} : memref<100x64xf32, #tpu.memory_space<vmem>>, vector<1x16xf32>,
        %get3A_299 = vector.shape_cast %get3A_298 : vector<1x16xf32> to vector<16xf32>
        %max3A_300 = arith.maximumf %max3A_276, %get3A_299 : vector<16xf32>
        %get3A_301 = arith.index_cast %add3A_290 : i32 to index
        %get3A_302 = arith.constant 32 : index
        %get3A_303 = tpu.vector_load %arg7[%get3A_301, %get3A_302] {strides = array<i32>} : memref<100x64xf32, #tpu.memory_space<vmem>>, vector<1x16xf32>,
        %get3A_304 = vector.shape_cast %get3A_303 : vector<1x16xf32> to vector<16xf32>
        %max3A_305 = arith.maximumf %max3A_281, %get3A_304 : vector<16xf32>
        %get3A_306 = arith.index_cast %add3A_290 : i32 to index
        %get3A_307 = arith.constant 48 : index
        %get3A_308 = tpu.vector_load %arg7[%get3A_306, %get3A_307] {strides = array<i32>} : memref<100x64xf32, #tpu.memory_space<vmem>>, vector<1x16xf32>,
        %get3A_309 = vector.shape_cast %get3A_308 : vector<1x16xf32> to vector<16xf32>
        %max3A_310 = arith.maximumf %max3A_286, %get3A_309 : vector<16xf32>
        %mul3A_311 = arith.constant 10 : i32
        %mul3A_312 = arith.muli %scan3A_188, %mul3A_311 : i32
        %add3A_313 = arith.constant 5 : i32
        %add3A_314 = arith.addi %mul3A_312, %add3A_313 : i32
        %get3A_315 = arith.index_cast %add3A_314 : i32 to index
        %get3A_316 = arith.constant 0 : index
        %get3A_317 = tpu.vector_load %arg7[%get3A_315, %get3A_316] {strides = array<i32>} : memref<100x64xf32, #tpu.memory_space<vmem>>, vector<1x16xf32>,
        %get3A_318 = vector.shape_cast %get3A_317 : vector<1x16xf32> to vector<16xf32>
        %max3A_319 = arith.maximumf %max3A_295, %get3A_318 : vector<16xf32>
        %get3A_320 = arith.index_cast %add3A_314 : i32 to index
        %get3A_321 = arith.constant 16 : index
        %get3A_322 = tpu.vector_load %arg7[%get3A_320, %get3A_321] {strides = array<i32>} : memref<100x64xf32, #tpu.memory_space<vmem>>, vector<1x16xf32>,
        %get3A_323 = vector.shape_cast %get3A_322 : vector<1x16xf32> to vector<16xf32>
        %max3A_324 = arith.maximumf %max3A_300, %get3A_323 : vector<16xf32>
        %get3A_325 = arith.index_cast %add3A_314 : i32 to index
        %get3A_326 = arith.constant 32 : index
        %get3A_327 = tpu.vector_load %arg7[%get3A_325, %get3A_326] {strides = array<i32>} : memref<100x64xf32, #tpu.memory_space<vmem>>, vector<1x16xf32>,
        %get3A_328 = vector.shape_cast %get3A_327 : vector<1x16xf32> to vector<16xf32>
        %max3A_329 = arith.maximumf %max3A_305, %get3A_328 : vector<16xf32>
        %get3A_330 = arith.index_cast %add3A_314 : i32 to index
        %get3A_331 = arith.constant 48 : index
        %get3A_332 = tpu.vector_load %arg7[%get3A_330, %get3A_331] {strides = array<i32>} : memref<100x64xf32, #tpu.memory_space<vmem>>, vector<1x16xf32>,
        %get3A_333 = vector.shape_cast %get3A_332 : vector<1x16xf32> to vector<16xf32>
        %max3A_334 = arith.maximumf %max3A_310, %get3A_333 : vector<16xf32>
        %mul3A_335 = arith.constant 10 : i32
        %mul3A_336 = arith.muli %scan3A_188, %mul3A_335 : i32
        %add3A_337 = arith.constant 6 : i32
        %add3A_338 = arith.addi %mul3A_336, %add3A_337 : i32
        %get3A_339 = arith.index_cast %add3A_338 : i32 to index
        %get3A_340 = arith.constant 0 : index
        %get3A_341 = tpu.vector_load %arg7[%get3A_339, %get3A_340] {strides = array<i32>} : memref<100x64xf32, #tpu.memory_space<vmem>>, vector<1x16xf32>,
        %get3A_342 = vector.shape_cast %get3A_341 : vector<1x16xf32> to vector<16xf32>
        %max3A_343 = arith.maximumf %max3A_319, %get3A_342 : vector<16xf32>
        %get3A_344 = arith.index_cast %add3A_338 : i32 to index
        %get3A_345 = arith.constant 16 : index
        %get3A_346 = tpu.vector_load %arg7[%get3A_344, %get3A_345] {strides = array<i32>} : memref<100x64xf32, #tpu.memory_space<vmem>>, vector<1x16xf32>,
        %get3A_347 = vector.shape_cast %get3A_346 : vector<1x16xf32> to vector<16xf32>
        %max3A_348 = arith.maximumf %max3A_324, %get3A_347 : vector<16xf32>
        %get3A_349 = arith.index_cast %add3A_338 : i32 to index
        %get3A_350 = arith.constant 32 : index
        %get3A_351 = tpu.vector_load %arg7[%get3A_349, %get3A_350] {strides = array<i32>} : memref<100x64xf32, #tpu.memory_space<vmem>>, vector<1x16xf32>,
        %get3A_352 = vector.shape_cast %get3A_351 : vector<1x16xf32> to vector<16xf32>
        %max3A_353 = arith.maximumf %max3A_329, %get3A_352 : vector<16xf32>
        %get3A_354 = arith.index_cast %add3A_338 : i32 to index
        %get3A_355 = arith.constant 48 : index
        %get3A_356 = tpu.vector_load %arg7[%get3A_354, %get3A_355] {strides = array<i32>} : memref<100x64xf32, #tpu.memory_space<vmem>>, vector<1x16xf32>,
        %get3A_357 = vector.shape_cast %get3A_356 : vector<1x16xf32> to vector<16xf32>
        %max3A_358 = arith.maximumf %max3A_334, %get3A_357 : vector<16xf32>
        %mul3A_359 = arith.constant 10 : i32
        %mul3A_360 = arith.muli %scan3A_188, %mul3A_359 : i32
        %add3A_361 = arith.constant 7 : i32
        %add3A_362 = arith.addi %mul3A_360, %add3A_361 : i32
        %get3A_363 = arith.index_cast %add3A_362 : i32 to index
        %get3A_364 = arith.constant 0 : index
        %get3A_365 = tpu.vector_load %arg7[%get3A_363, %get3A_364] {strides = array<i32>} : memref<100x64xf32, #tpu.memory_space<vmem>>, vector<1x16xf32>,
        %get3A_366 = vector.shape_cast %get3A_365 : vector<1x16xf32> to vector<16xf32>
        %max3A_367 = arith.maximumf %max3A_343, %get3A_366 : vector<16xf32>
        %get3A_368 = arith.index_cast %add3A_362 : i32 to index
        %get3A_369 = arith.constant 16 : index
        %get3A_370 = tpu.vector_load %arg7[%get3A_368, %get3A_369] {strides = array<i32>} : memref<100x64xf32, #tpu.memory_space<vmem>>, vector<1x16xf32>,
        %get3A_371 = vector.shape_cast %get3A_370 : vector<1x16xf32> to vector<16xf32>
        %max3A_372 = arith.maximumf %max3A_348, %get3A_371 : vector<16xf32>
        %get3A_373 = arith.index_cast %add3A_362 : i32 to index
        %get3A_374 = arith.constant 32 : index
        %get3A_375 = tpu.vector_load %arg7[%get3A_373, %get3A_374] {strides = array<i32>} : memref<100x64xf32, #tpu.memory_space<vmem>>, vector<1x16xf32>,
        %get3A_376 = vector.shape_cast %get3A_375 : vector<1x16xf32> to vector<16xf32>
        %max3A_377 = arith.maximumf %max3A_353, %get3A_376 : vector<16xf32>
        %get3A_378 = arith.index_cast %add3A_362 : i32 to index
        %get3A_379 = arith.constant 48 : index
        %get3A_380 = tpu.vector_load %arg7[%get3A_378, %get3A_379] {strides = array<i32>} : memref<100x64xf32, #tpu.memory_space<vmem>>, vector<1x16xf32>,
        %get3A_381 = vector.shape_cast %get3A_380 : vector<1x16xf32> to vector<16xf32>
        %max3A_382 = arith.maximumf %max3A_358, %get3A_381 : vector<16xf32>
        %mul3A_383 = arith.constant 10 : i32
        %mul3A_384 = arith.muli %scan3A_188, %mul3A_383 : i32
        %add3A_385 = arith.constant 8 : i32
        %add3A_386 = arith.addi %mul3A_384, %add3A_385 : i32
        %get3A_387 = arith.index_cast %add3A_386 : i32 to index
        %get3A_388 = arith.constant 0 : index
        %get3A_389 = tpu.vector_load %arg7[%get3A_387, %get3A_388] {strides = array<i32>} : memref<100x64xf32, #tpu.memory_space<vmem>>, vector<1x16xf32>,
        %get3A_390 = vector.shape_cast %get3A_389 : vector<1x16xf32> to vector<16xf32>
        %max3A_391 = arith.maximumf %max3A_367, %get3A_390 : vector<16xf32>
        %get3A_392 = arith.index_cast %add3A_386 : i32 to index
        %get3A_393 = arith.constant 16 : index
        %get3A_394 = tpu.vector_load %arg7[%get3A_392, %get3A_393] {strides = array<i32>} : memref<100x64xf32, #tpu.memory_space<vmem>>, vector<1x16xf32>,
        %get3A_395 = vector.shape_cast %get3A_394 : vector<1x16xf32> to vector<16xf32>
        %max3A_396 = arith.maximumf %max3A_372, %get3A_395 : vector<16xf32>
        %get3A_397 = arith.index_cast %add3A_386 : i32 to index
        %get3A_398 = arith.constant 32 : index
        %get3A_399 = tpu.vector_load %arg7[%get3A_397, %get3A_398] {strides = array<i32>} : memref<100x64xf32, #tpu.memory_space<vmem>>, vector<1x16xf32>,
        %get3A_400 = vector.shape_cast %get3A_399 : vector<1x16xf32> to vector<16xf32>
        %max3A_401 = arith.maximumf %max3A_377, %get3A_400 : vector<16xf32>
        %get3A_402 = arith.index_cast %add3A_386 : i32 to index
        %get3A_403 = arith.constant 48 : index
        %get3A_404 = tpu.vector_load %arg7[%get3A_402, %get3A_403] {strides = array<i32>} : memref<100x64xf32, #tpu.memory_space<vmem>>, vector<1x16xf32>,
        %get3A_405 = vector.shape_cast %get3A_404 : vector<1x16xf32> to vector<16xf32>
        %max3A_406 = arith.maximumf %max3A_382, %get3A_405 : vector<16xf32>
        %mul3A_407 = arith.constant 10 : i32
        %mul3A_408 = arith.muli %scan3A_188, %mul3A_407 : i32
        %add3A_409 = arith.constant 9 : i32
        %add3A_410 = arith.addi %mul3A_408, %add3A_409 : i32
        %get3A_411 = arith.index_cast %add3A_410 : i32 to index
        %get3A_412 = arith.constant 0 : index
        %get3A_413 = tpu.vector_load %arg7[%get3A_411, %get3A_412] {strides = array<i32>} : memref<100x64xf32, #tpu.memory_space<vmem>>, vector<1x16xf32>,
        %get3A_414 = vector.shape_cast %get3A_413 : vector<1x16xf32> to vector<16xf32>
        %max3A_415 = arith.maximumf %max3A_391, %get3A_414 : vector<16xf32>
        %get3A_416 = arith.index_cast %add3A_410 : i32 to index
        %get3A_417 = arith.constant 16 : index
        %get3A_418 = tpu.vector_load %arg7[%get3A_416, %get3A_417] {strides = array<i32>} : memref<100x64xf32, #tpu.memory_space<vmem>>, vector<1x16xf32>,
        %get3A_419 = vector.shape_cast %get3A_418 : vector<1x16xf32> to vector<16xf32>
        %max3A_420 = arith.maximumf %max3A_396, %get3A_419 : vector<16xf32>
        %get3A_421 = arith.index_cast %add3A_410 : i32 to index
        %get3A_422 = arith.constant 32 : index
        %get3A_423 = tpu.vector_load %arg7[%get3A_421, %get3A_422] {strides = array<i32>} : memref<100x64xf32, #tpu.memory_space<vmem>>, vector<1x16xf32>,
        %get3A_424 = vector.shape_cast %get3A_423 : vector<1x16xf32> to vector<16xf32>
        %max3A_425 = arith.maximumf %max3A_401, %get3A_424 : vector<16xf32>
        %get3A_426 = arith.index_cast %add3A_410 : i32 to index
        %get3A_427 = arith.constant 48 : index
        %get3A_428 = tpu.vector_load %arg7[%get3A_426, %get3A_427] {strides = array<i32>} : memref<100x64xf32, #tpu.memory_space<vmem>>, vector<1x16xf32>,
        %get3A_429 = vector.shape_cast %get3A_428 : vector<1x16xf32> to vector<16xf32>
        %max3A_430 = arith.maximumf %max3A_406, %get3A_429 : vector<16xf32>
        scf.yield %max3A_415, %max3A_420, %max3A_425, %max3A_430 : vector<16xf32>, vector<16xf32>, vector<16xf32>, vector<16xf32>
      }
      %scan3A_85 = arith.constant 10 : i32
      %lt3A_86 = arith.constant 63 : i32
      %lt3A_87 = arith.cmpi slt, %scan3A_37, %lt3A_86 : i32
      %convert_element_type3A_88 = arith.extui %lt3A_87 : i1 to i32
      %cond3A_89 = arith.constant 0 : i32
      %cond3A_90 = arith.cmpi ne, %convert_element_type3A_88, %cond3A_89 : i32
      scf.if %cond3A_90 {
        %add3A_188 = arith.constant 4 : i32
        %add3A_189 = arith.addi %add3A_73, %add3A_188 : i32
        %dma_start3A_190 = arith.constant 0 : i32
        %dma_start3A_191 = tpu.memref_slice %arg5[%add3A_189, %dma_start3A_190] : memref<256x100xi32, #tpu.memory_space<vmem>> -> memref<1x100xi32, #tpu.memory_space<vmem>>
        %dma_start3A_192 = tpu.memref_squeeze %dma_start3A_191 : memref<1x100xi32, #tpu.memory_space<vmem>> -> memref<100xi32, #tpu.memory_space<vmem>>
        %dma_start3A_193 = arith.constant 0 : i32
        %dma_start3A_194 = arith.constant 0 : i32
        %dma_start3A_195 = tpu.memref_slice %arg3[%dma_start3A_193, %dma_start3A_194] : memref<1015808x64xf32, #tpu.memory_space<hbm>> -> memref<1015808x64xf32, #tpu.memory_space<hbm>>
        tpu.enqueue_indirect_dma source(%dma_start3A_195 : memref<1015808x64xf32, #tpu.memory_space<hbm>>) target(%arg7 : memref<100x64xf32, #tpu.memory_space<vmem>>) offsets(%dma_start3A_192 : memref<100xi32, #tpu.memory_space<vmem>>) semaphore(%arg12 : memref<!tpu.dma_semaphore, #tpu.memory_space<semaphore_mem>>)
      } else {
      }
      %swap3A = arith.index_cast %add3A_41 : i32 to index
      %swap3A_91 = arith.constant 0 : index
      %swap3A_92 = tpu.vector_load %arg10[%swap3A, %swap3A_91] {strides = array<i32>} : memref<128x64xf32, #tpu.memory_space<vmem>>, vector<1x16xf32>,
      %swap3A_93 = vector.shape_cast %swap3A_92 : vector<1x16xf32> to vector<16xf32>
      %swap3A_94 = vector.shape_cast %scan3A_84#0 : vector<16xf32> to vector<1x16xf32>
      tpu.vector_store %arg10[%swap3A, %swap3A_91], %swap3A_94 {strides = array<i32>} : memref<128x64xf32, #tpu.memory_space<vmem>>, vector<1x16xf32>,
      %swap3A_95 = arith.index_cast %add3A_41 : i32 to index
      %swap3A_96 = arith.constant 16 : index
      %swap3A_97 = tpu.vector_load %arg10[%swap3A_95, %swap3A_96] {strides = array<i32>} : memref<128x64xf32, #tpu.memory_space<vmem>>, vector<1x16xf32>,
      %swap3A_98 = vector.shape_cast %swap3A_97 : vector<1x16xf32> to vector<16xf32>
      %swap3A_99 = vector.shape_cast %scan3A_84#1 : vector<16xf32> to vector<1x16xf32>
      tpu.vector_store %arg10[%swap3A_95, %swap3A_96], %swap3A_99 {strides = array<i32>} : memref<128x64xf32, #tpu.memory_space<vmem>>, vector<1x16xf32>,
      %swap3A_100 = arith.index_cast %add3A_41 : i32 to index
      %swap3A_101 = arith.constant 32 : index
      %swap3A_102 = tpu.vector_load %arg10[%swap3A_100, %swap3A_101] {strides = array<i32>} : memref<128x64xf32, #tpu.memory_space<vmem>>, vector<1x16xf32>,
      %swap3A_103 = vector.shape_cast %swap3A_102 : vector<1x16xf32> to vector<16xf32>
      %swap3A_104 = vector.shape_cast %scan3A_84#2 : vector<16xf32> to vector<1x16xf32>
      tpu.vector_store %arg10[%swap3A_100, %swap3A_101], %swap3A_104 {strides = array<i32>} : memref<128x64xf32, #tpu.memory_space<vmem>>, vector<1x16xf32>,
      %swap3A_105 = arith.index_cast %add3A_41 : i32 to index
      %swap3A_106 = arith.constant 48 : index
      %swap3A_107 = tpu.vector_load %arg10[%swap3A_105, %swap3A_106] {strides = array<i32>} : memref<128x64xf32, #tpu.memory_space<vmem>>, vector<1x16xf32>,
      %swap3A_108 = vector.shape_cast %swap3A_107 : vector<1x16xf32> to vector<16xf32>
      %swap3A_109 = vector.shape_cast %scan3A_84#3 : vector<16xf32> to vector<1x16xf32>
      tpu.vector_store %arg10[%swap3A_105, %swap3A_106], %swap3A_109 {strides = array<i32>} : memref<128x64xf32, #tpu.memory_space<vmem>>, vector<1x16xf32>,
      %mul3A_110 = arith.constant 2 : i32
      %mul3A_111 = arith.muli %mul3A_110, %scan3A_37 : i32
      %add3A_112 = arith.constant 1 : i32
      %add3A_113 = arith.addi %mul3A_111, %add3A_112 : i32
      %broadcast_in_dim3A_114 = arith.constant 0xFF800000 : f32
      %broadcast_in_dim3A_115 = vector.broadcast %broadcast_in_dim3A_114 : f32 to vector<16xf32>
      %broadcast_in_dim3A_116 = arith.constant 0xFF800000 : f32
      %broadcast_in_dim3A_117 = vector.broadcast %broadcast_in_dim3A_116 : f32 to vector<16xf32>
      %broadcast_in_dim3A_118 = arith.constant 0xFF800000 : f32
      %broadcast_in_dim3A_119 = vector.broadcast %broadcast_in_dim3A_118 : f32 to vector<16xf32>
      %broadcast_in_dim3A_120 = arith.constant 0xFF800000 : f32
      %broadcast_in_dim3A_121 = vector.broadcast %broadcast_in_dim3A_120 : f32 to vector<16xf32>
      %mul3A_122 = arith.constant 4 : i32
      %mul3A_123 = arith.muli %mul3A_122, %scan3A_37 : i32
      %add3A_124 = arith.constant 2 : i32
      %add3A_125 = arith.addi %mul3A_123, %add3A_124 : i32
      %add3A_126 = arith.constant 0 : i32
      %add3A_127 = arith.addi %add3A_125, %add3A_126 : i32
      %dma_wait3A_128 = arith.constant 0 : i32
      %dma_wait3A_129 = tpu.memref_slice %arg5[%add3A_127, %dma_wait3A_128] : memref<256x100xi32, #tpu.memory_space<vmem>> -> memref<1x100xi32, #tpu.memory_space<vmem>>
      %dma_wait3A_130 = tpu.memref_squeeze %dma_wait3A_129 : memref<1x100xi32, #tpu.memory_space<vmem>> -> memref<100xi32, #tpu.memory_space<vmem>>
      %dma_wait3A_131 = arith.constant 0 : i32
      %dma_wait3A_132 = arith.constant 0 : i32
      %dma_wait3A_133 = tpu.memref_slice %arg3[%dma_wait3A_131, %dma_wait3A_132] : memref<1015808x64xf32, #tpu.memory_space<hbm>> -> memref<1015808x64xf32, #tpu.memory_space<hbm>>
      tpu.wait_indirect_dma semaphore(%arg13 : memref<!tpu.dma_semaphore, #tpu.memory_space<semaphore_mem>>) src(%dma_wait3A_133 : memref<1015808x64xf32, #tpu.memory_space<hbm>>) dst(%arg8 : memref<100x64xf32, #tpu.memory_space<vmem>>)
      %scan3A_134 = arith.constant 0 : i32
      %scan3A_135 = arith.constant 10 : i32
      %scan3A_136 = arith.addi %scan3A_134, %scan3A_135 : i32
      %scan3A_137 = arith.constant 1 : i32
      %scan3A_138:4 = scf.for %scan3A_188 = %scan3A_134 to %scan3A_136 step %scan3A_137 iter_args(%scan3A_189 = %broadcast_in_dim3A_115, %scan3A_190 = %broadcast_in_dim3A_117, %scan3A_191 = %broadcast_in_dim3A_119, %scan3A_192 = %broadcast_in_dim3A_121) -> (vector<16xf32>, vector<16xf32>, vector<16xf32>, vector<16xf32>)  : i32 {
        %mul3A_193 = arith.constant 10 : i32
        %mul3A_194 = arith.muli %scan3A_188, %mul3A_193 : i32
        %add3A_195 = arith.constant 0 : i32
        %add3A_196 = arith.addi %mul3A_194, %add3A_195 : i32
        %get3A = arith.index_cast %add3A_196 : i32 to index
        %get3A_197 = arith.constant 0 : index
        %get3A_198 = tpu.vector_load %arg8[%get3A, %get3A_197] {strides = array<i32>} : memref<100x64xf32, #tpu.memory_space<vmem>>, vector<1x16xf32>,
        %get3A_199 = vector.shape_cast %get3A_198 : vector<1x16xf32> to vector<16xf32>
        %max3A = arith.maximumf %scan3A_189, %get3A_199 : vector<16xf32>
        %get3A_200 = arith.index_cast %add3A_196 : i32 to index
        %get3A_201 = arith.constant 16 : index
        %get3A_202 = tpu.vector_load %arg8[%get3A_200, %get3A_201] {strides = array<i32>} : memref<100x64xf32, #tpu.memory_space<vmem>>, vector<1x16xf32>,
        %get3A_203 = vector.shape_cast %get3A_202 : vector<1x16xf32> to vector<16xf32>
        %max3A_204 = arith.maximumf %scan3A_190, %get3A_203 : vector<16xf32>
        %get3A_205 = arith.index_cast %add3A_196 : i32 to index
        %get3A_206 = arith.constant 32 : index
        %get3A_207 = tpu.vector_load %arg8[%get3A_205, %get3A_206] {strides = array<i32>} : memref<100x64xf32, #tpu.memory_space<vmem>>, vector<1x16xf32>,
        %get3A_208 = vector.shape_cast %get3A_207 : vector<1x16xf32> to vector<16xf32>
        %max3A_209 = arith.maximumf %scan3A_191, %get3A_208 : vector<16xf32>
        %get3A_210 = arith.index_cast %add3A_196 : i32 to index
        %get3A_211 = arith.constant 48 : index
        %get3A_212 = tpu.vector_load %arg8[%get3A_210, %get3A_211] {strides = array<i32>} : memref<100x64xf32, #tpu.memory_space<vmem>>, vector<1x16xf32>,
        %get3A_213 = vector.shape_cast %get3A_212 : vector<1x16xf32> to vector<16xf32>
        %max3A_214 = arith.maximumf %scan3A_192, %get3A_213 : vector<16xf32>
        %mul3A_215 = arith.constant 10 : i32
        %mul3A_216 = arith.muli %scan3A_188, %mul3A_215 : i32
        %add3A_217 = arith.constant 1 : i32
        %add3A_218 = arith.addi %mul3A_216, %add3A_217 : i32
        %get3A_219 = arith.index_cast %add3A_218 : i32 to index
        %get3A_220 = arith.constant 0 : index
        %get3A_221 = tpu.vector_load %arg8[%get3A_219, %get3A_220] {strides = array<i32>} : memref<100x64xf32, #tpu.memory_space<vmem>>, vector<1x16xf32>,
        %get3A_222 = vector.shape_cast %get3A_221 : vector<1x16xf32> to vector<16xf32>
        %max3A_223 = arith.maximumf %max3A, %get3A_222 : vector<16xf32>
        %get3A_224 = arith.index_cast %add3A_218 : i32 to index
        %get3A_225 = arith.constant 16 : index
        %get3A_226 = tpu.vector_load %arg8[%get3A_224, %get3A_225] {strides = array<i32>} : memref<100x64xf32, #tpu.memory_space<vmem>>, vector<1x16xf32>,
        %get3A_227 = vector.shape_cast %get3A_226 : vector<1x16xf32> to vector<16xf32>
        %max3A_228 = arith.maximumf %max3A_204, %get3A_227 : vector<16xf32>
        %get3A_229 = arith.index_cast %add3A_218 : i32 to index
        %get3A_230 = arith.constant 32 : index
        %get3A_231 = tpu.vector_load %arg8[%get3A_229, %get3A_230] {strides = array<i32>} : memref<100x64xf32, #tpu.memory_space<vmem>>, vector<1x16xf32>,
        %get3A_232 = vector.shape_cast %get3A_231 : vector<1x16xf32> to vector<16xf32>
        %max3A_233 = arith.maximumf %max3A_209, %get3A_232 : vector<16xf32>
        %get3A_234 = arith.index_cast %add3A_218 : i32 to index
        %get3A_235 = arith.constant 48 : index
        %get3A_236 = tpu.vector_load %arg8[%get3A_234, %get3A_235] {strides = array<i32>} : memref<100x64xf32, #tpu.memory_space<vmem>>, vector<1x16xf32>,
        %get3A_237 = vector.shape_cast %get3A_236 : vector<1x16xf32> to vector<16xf32>
        %max3A_238 = arith.maximumf %max3A_214, %get3A_237 : vector<16xf32>
        %mul3A_239 = arith.constant 10 : i32
        %mul3A_240 = arith.muli %scan3A_188, %mul3A_239 : i32
        %add3A_241 = arith.constant 2 : i32
        %add3A_242 = arith.addi %mul3A_240, %add3A_241 : i32
        %get3A_243 = arith.index_cast %add3A_242 : i32 to index
        %get3A_244 = arith.constant 0 : index
        %get3A_245 = tpu.vector_load %arg8[%get3A_243, %get3A_244] {strides = array<i32>} : memref<100x64xf32, #tpu.memory_space<vmem>>, vector<1x16xf32>,
        %get3A_246 = vector.shape_cast %get3A_245 : vector<1x16xf32> to vector<16xf32>
        %max3A_247 = arith.maximumf %max3A_223, %get3A_246 : vector<16xf32>
        %get3A_248 = arith.index_cast %add3A_242 : i32 to index
        %get3A_249 = arith.constant 16 : index
        %get3A_250 = tpu.vector_load %arg8[%get3A_248, %get3A_249] {strides = array<i32>} : memref<100x64xf32, #tpu.memory_space<vmem>>, vector<1x16xf32>,
        %get3A_251 = vector.shape_cast %get3A_250 : vector<1x16xf32> to vector<16xf32>
        %max3A_252 = arith.maximumf %max3A_228, %get3A_251 : vector<16xf32>
        %get3A_253 = arith.index_cast %add3A_242 : i32 to index
        %get3A_254 = arith.constant 32 : index
        %get3A_255 = tpu.vector_load %arg8[%get3A_253, %get3A_254] {strides = array<i32>} : memref<100x64xf32, #tpu.memory_space<vmem>>, vector<1x16xf32>,
        %get3A_256 = vector.shape_cast %get3A_255 : vector<1x16xf32> to vector<16xf32>
        %max3A_257 = arith.maximumf %max3A_233, %get3A_256 : vector<16xf32>
        %get3A_258 = arith.index_cast %add3A_242 : i32 to index
        %get3A_259 = arith.constant 48 : index
        %get3A_260 = tpu.vector_load %arg8[%get3A_258, %get3A_259] {strides = array<i32>} : memref<100x64xf32, #tpu.memory_space<vmem>>, vector<1x16xf32>,
        %get3A_261 = vector.shape_cast %get3A_260 : vector<1x16xf32> to vector<16xf32>
        %max3A_262 = arith.maximumf %max3A_238, %get3A_261 : vector<16xf32>
        %mul3A_263 = arith.constant 10 : i32
        %mul3A_264 = arith.muli %scan3A_188, %mul3A_263 : i32
        %add3A_265 = arith.constant 3 : i32
        %add3A_266 = arith.addi %mul3A_264, %add3A_265 : i32
        %get3A_267 = arith.index_cast %add3A_266 : i32 to index
        %get3A_268 = arith.constant 0 : index
        %get3A_269 = tpu.vector_load %arg8[%get3A_267, %get3A_268] {strides = array<i32>} : memref<100x64xf32, #tpu.memory_space<vmem>>, vector<1x16xf32>,
        %get3A_270 = vector.shape_cast %get3A_269 : vector<1x16xf32> to vector<16xf32>
        %max3A_271 = arith.maximumf %max3A_247, %get3A_270 : vector<16xf32>
        %get3A_272 = arith.index_cast %add3A_266 : i32 to index
        %get3A_273 = arith.constant 16 : index
        %get3A_274 = tpu.vector_load %arg8[%get3A_272, %get3A_273] {strides = array<i32>} : memref<100x64xf32, #tpu.memory_space<vmem>>, vector<1x16xf32>,
        %get3A_275 = vector.shape_cast %get3A_274 : vector<1x16xf32> to vector<16xf32>
        %max3A_276 = arith.maximumf %max3A_252, %get3A_275 : vector<16xf32>
        %get3A_277 = arith.index_cast %add3A_266 : i32 to index
        %get3A_278 = arith.constant 32 : index
        %get3A_279 = tpu.vector_load %arg8[%get3A_277, %get3A_278] {strides = array<i32>} : memref<100x64xf32, #tpu.memory_space<vmem>>, vector<1x16xf32>,
        %get3A_280 = vector.shape_cast %get3A_279 : vector<1x16xf32> to vector<16xf32>
        %max3A_281 = arith.maximumf %max3A_257, %get3A_280 : vector<16xf32>
        %get3A_282 = arith.index_cast %add3A_266 : i32 to index
        %get3A_283 = arith.constant 48 : index
        %get3A_284 = tpu.vector_load %arg8[%get3A_282, %get3A_283] {strides = array<i32>} : memref<100x64xf32, #tpu.memory_space<vmem>>, vector<1x16xf32>,
        %get3A_285 = vector.shape_cast %get3A_284 : vector<1x16xf32> to vector<16xf32>
        %max3A_286 = arith.maximumf %max3A_262, %get3A_285 : vector<16xf32>
        %mul3A_287 = arith.constant 10 : i32
        %mul3A_288 = arith.muli %scan3A_188, %mul3A_287 : i32
        %add3A_289 = arith.constant 4 : i32
        %add3A_290 = arith.addi %mul3A_288, %add3A_289 : i32
        %get3A_291 = arith.index_cast %add3A_290 : i32 to index
        %get3A_292 = arith.constant 0 : index
        %get3A_293 = tpu.vector_load %arg8[%get3A_291, %get3A_292] {strides = array<i32>} : memref<100x64xf32, #tpu.memory_space<vmem>>, vector<1x16xf32>,
        %get3A_294 = vector.shape_cast %get3A_293 : vector<1x16xf32> to vector<16xf32>
        %max3A_295 = arith.maximumf %max3A_271, %get3A_294 : vector<16xf32>
        %get3A_296 = arith.index_cast %add3A_290 : i32 to index
        %get3A_297 = arith.constant 16 : index
        %get3A_298 = tpu.vector_load %arg8[%get3A_296, %get3A_297] {strides = array<i32>} : memref<100x64xf32, #tpu.memory_space<vmem>>, vector<1x16xf32>,
        %get3A_299 = vector.shape_cast %get3A_298 : vector<1x16xf32> to vector<16xf32>
        %max3A_300 = arith.maximumf %max3A_276, %get3A_299 : vector<16xf32>
        %get3A_301 = arith.index_cast %add3A_290 : i32 to index
        %get3A_302 = arith.constant 32 : index
        %get3A_303 = tpu.vector_load %arg8[%get3A_301, %get3A_302] {strides = array<i32>} : memref<100x64xf32, #tpu.memory_space<vmem>>, vector<1x16xf32>,
        %get3A_304 = vector.shape_cast %get3A_303 : vector<1x16xf32> to vector<16xf32>
        %max3A_305 = arith.maximumf %max3A_281, %get3A_304 : vector<16xf32>
        %get3A_306 = arith.index_cast %add3A_290 : i32 to index
        %get3A_307 = arith.constant 48 : index
        %get3A_308 = tpu.vector_load %arg8[%get3A_306, %get3A_307] {strides = array<i32>} : memref<100x64xf32, #tpu.memory_space<vmem>>, vector<1x16xf32>,
        %get3A_309 = vector.shape_cast %get3A_308 : vector<1x16xf32> to vector<16xf32>
        %max3A_310 = arith.maximumf %max3A_286, %get3A_309 : vector<16xf32>
        %mul3A_311 = arith.constant 10 : i32
        %mul3A_312 = arith.muli %scan3A_188, %mul3A_311 : i32
        %add3A_313 = arith.constant 5 : i32
        %add3A_314 = arith.addi %mul3A_312, %add3A_313 : i32
        %get3A_315 = arith.index_cast %add3A_314 : i32 to index
        %get3A_316 = arith.constant 0 : index
        %get3A_317 = tpu.vector_load %arg8[%get3A_315, %get3A_316] {strides = array<i32>} : memref<100x64xf32, #tpu.memory_space<vmem>>, vector<1x16xf32>,
        %get3A_318 = vector.shape_cast %get3A_317 : vector<1x16xf32> to vector<16xf32>
        %max3A_319 = arith.maximumf %max3A_295, %get3A_318 : vector<16xf32>
        %get3A_320 = arith.index_cast %add3A_314 : i32 to index
        %get3A_321 = arith.constant 16 : index
        %get3A_322 = tpu.vector_load %arg8[%get3A_320, %get3A_321] {strides = array<i32>} : memref<100x64xf32, #tpu.memory_space<vmem>>, vector<1x16xf32>,
        %get3A_323 = vector.shape_cast %get3A_322 : vector<1x16xf32> to vector<16xf32>
        %max3A_324 = arith.maximumf %max3A_300, %get3A_323 : vector<16xf32>
        %get3A_325 = arith.index_cast %add3A_314 : i32 to index
        %get3A_326 = arith.constant 32 : index
        %get3A_327 = tpu.vector_load %arg8[%get3A_325, %get3A_326] {strides = array<i32>} : memref<100x64xf32, #tpu.memory_space<vmem>>, vector<1x16xf32>,
        %get3A_328 = vector.shape_cast %get3A_327 : vector<1x16xf32> to vector<16xf32>
        %max3A_329 = arith.maximumf %max3A_305, %get3A_328 : vector<16xf32>
        %get3A_330 = arith.index_cast %add3A_314 : i32 to index
        %get3A_331 = arith.constant 48 : index
        %get3A_332 = tpu.vector_load %arg8[%get3A_330, %get3A_331] {strides = array<i32>} : memref<100x64xf32, #tpu.memory_space<vmem>>, vector<1x16xf32>,
        %get3A_333 = vector.shape_cast %get3A_332 : vector<1x16xf32> to vector<16xf32>
        %max3A_334 = arith.maximumf %max3A_310, %get3A_333 : vector<16xf32>
        %mul3A_335 = arith.constant 10 : i32
        %mul3A_336 = arith.muli %scan3A_188, %mul3A_335 : i32
        %add3A_337 = arith.constant 6 : i32
        %add3A_338 = arith.addi %mul3A_336, %add3A_337 : i32
        %get3A_339 = arith.index_cast %add3A_338 : i32 to index
        %get3A_340 = arith.constant 0 : index
        %get3A_341 = tpu.vector_load %arg8[%get3A_339, %get3A_340] {strides = array<i32>} : memref<100x64xf32, #tpu.memory_space<vmem>>, vector<1x16xf32>,
        %get3A_342 = vector.shape_cast %get3A_341 : vector<1x16xf32> to vector<16xf32>
        %max3A_343 = arith.maximumf %max3A_319, %get3A_342 : vector<16xf32>
        %get3A_344 = arith.index_cast %add3A_338 : i32 to index
        %get3A_345 = arith.constant 16 : index
        %get3A_346 = tpu.vector_load %arg8[%get3A_344, %get3A_345] {strides = array<i32>} : memref<100x64xf32, #tpu.memory_space<vmem>>, vector<1x16xf32>,
        %get3A_347 = vector.shape_cast %get3A_346 : vector<1x16xf32> to vector<16xf32>
        %max3A_348 = arith.maximumf %max3A_324, %get3A_347 : vector<16xf32>
        %get3A_349 = arith.index_cast %add3A_338 : i32 to index
        %get3A_350 = arith.constant 32 : index
        %get3A_351 = tpu.vector_load %arg8[%get3A_349, %get3A_350] {strides = array<i32>} : memref<100x64xf32, #tpu.memory_space<vmem>>, vector<1x16xf32>,
        %get3A_352 = vector.shape_cast %get3A_351 : vector<1x16xf32> to vector<16xf32>
        %max3A_353 = arith.maximumf %max3A_329, %get3A_352 : vector<16xf32>
        %get3A_354 = arith.index_cast %add3A_338 : i32 to index
        %get3A_355 = arith.constant 48 : index
        %get3A_356 = tpu.vector_load %arg8[%get3A_354, %get3A_355] {strides = array<i32>} : memref<100x64xf32, #tpu.memory_space<vmem>>, vector<1x16xf32>,
        %get3A_357 = vector.shape_cast %get3A_356 : vector<1x16xf32> to vector<16xf32>
        %max3A_358 = arith.maximumf %max3A_334, %get3A_357 : vector<16xf32>
        %mul3A_359 = arith.constant 10 : i32
        %mul3A_360 = arith.muli %scan3A_188, %mul3A_359 : i32
        %add3A_361 = arith.constant 7 : i32
        %add3A_362 = arith.addi %mul3A_360, %add3A_361 : i32
        %get3A_363 = arith.index_cast %add3A_362 : i32 to index
        %get3A_364 = arith.constant 0 : index
        %get3A_365 = tpu.vector_load %arg8[%get3A_363, %get3A_364] {strides = array<i32>} : memref<100x64xf32, #tpu.memory_space<vmem>>, vector<1x16xf32>,
        %get3A_366 = vector.shape_cast %get3A_365 : vector<1x16xf32> to vector<16xf32>
        %max3A_367 = arith.maximumf %max3A_343, %get3A_366 : vector<16xf32>
        %get3A_368 = arith.index_cast %add3A_362 : i32 to index
        %get3A_369 = arith.constant 16 : index
        %get3A_370 = tpu.vector_load %arg8[%get3A_368, %get3A_369] {strides = array<i32>} : memref<100x64xf32, #tpu.memory_space<vmem>>, vector<1x16xf32>,
        %get3A_371 = vector.shape_cast %get3A_370 : vector<1x16xf32> to vector<16xf32>
        %max3A_372 = arith.maximumf %max3A_348, %get3A_371 : vector<16xf32>
        %get3A_373 = arith.index_cast %add3A_362 : i32 to index
        %get3A_374 = arith.constant 32 : index
        %get3A_375 = tpu.vector_load %arg8[%get3A_373, %get3A_374] {strides = array<i32>} : memref<100x64xf32, #tpu.memory_space<vmem>>, vector<1x16xf32>,
        %get3A_376 = vector.shape_cast %get3A_375 : vector<1x16xf32> to vector<16xf32>
        %max3A_377 = arith.maximumf %max3A_353, %get3A_376 : vector<16xf32>
        %get3A_378 = arith.index_cast %add3A_362 : i32 to index
        %get3A_379 = arith.constant 48 : index
        %get3A_380 = tpu.vector_load %arg8[%get3A_378, %get3A_379] {strides = array<i32>} : memref<100x64xf32, #tpu.memory_space<vmem>>, vector<1x16xf32>,
        %get3A_381 = vector.shape_cast %get3A_380 : vector<1x16xf32> to vector<16xf32>
        %max3A_382 = arith.maximumf %max3A_358, %get3A_381 : vector<16xf32>
        %mul3A_383 = arith.constant 10 : i32
        %mul3A_384 = arith.muli %scan3A_188, %mul3A_383 : i32
        %add3A_385 = arith.constant 8 : i32
        %add3A_386 = arith.addi %mul3A_384, %add3A_385 : i32
        %get3A_387 = arith.index_cast %add3A_386 : i32 to index
        %get3A_388 = arith.constant 0 : index
        %get3A_389 = tpu.vector_load %arg8[%get3A_387, %get3A_388] {strides = array<i32>} : memref<100x64xf32, #tpu.memory_space<vmem>>, vector<1x16xf32>,
        %get3A_390 = vector.shape_cast %get3A_389 : vector<1x16xf32> to vector<16xf32>
        %max3A_391 = arith.maximumf %max3A_367, %get3A_390 : vector<16xf32>
        %get3A_392 = arith.index_cast %add3A_386 : i32 to index
        %get3A_393 = arith.constant 16 : index
        %get3A_394 = tpu.vector_load %arg8[%get3A_392, %get3A_393] {strides = array<i32>} : memref<100x64xf32, #tpu.memory_space<vmem>>, vector<1x16xf32>,
        %get3A_395 = vector.shape_cast %get3A_394 : vector<1x16xf32> to vector<16xf32>
        %max3A_396 = arith.maximumf %max3A_372, %get3A_395 : vector<16xf32>
        %get3A_397 = arith.index_cast %add3A_386 : i32 to index
        %get3A_398 = arith.constant 32 : index
        %get3A_399 = tpu.vector_load %arg8[%get3A_397, %get3A_398] {strides = array<i32>} : memref<100x64xf32, #tpu.memory_space<vmem>>, vector<1x16xf32>,
        %get3A_400 = vector.shape_cast %get3A_399 : vector<1x16xf32> to vector<16xf32>
        %max3A_401 = arith.maximumf %max3A_377, %get3A_400 : vector<16xf32>
        %get3A_402 = arith.index_cast %add3A_386 : i32 to index
        %get3A_403 = arith.constant 48 : index
        %get3A_404 = tpu.vector_load %arg8[%get3A_402, %get3A_403] {strides = array<i32>} : memref<100x64xf32, #tpu.memory_space<vmem>>, vector<1x16xf32>,
        %get3A_405 = vector.shape_cast %get3A_404 : vector<1x16xf32> to vector<16xf32>
        %max3A_406 = arith.maximumf %max3A_382, %get3A_405 : vector<16xf32>
        %mul3A_407 = arith.constant 10 : i32
        %mul3A_408 = arith.muli %scan3A_188, %mul3A_407 : i32
        %add3A_409 = arith.constant 9 : i32
        %add3A_410 = arith.addi %mul3A_408, %add3A_409 : i32
        %get3A_411 = arith.index_cast %add3A_410 : i32 to index
        %get3A_412 = arith.constant 0 : index
        %get3A_413 = tpu.vector_load %arg8[%get3A_411, %get3A_412] {strides = array<i32>} : memref<100x64xf32, #tpu.memory_space<vmem>>, vector<1x16xf32>,
        %get3A_414 = vector.shape_cast %get3A_413 : vector<1x16xf32> to vector<16xf32>
        %max3A_415 = arith.maximumf %max3A_391, %get3A_414 : vector<16xf32>
        %get3A_416 = arith.index_cast %add3A_410 : i32 to index
        %get3A_417 = arith.constant 16 : index
        %get3A_418 = tpu.vector_load %arg8[%get3A_416, %get3A_417] {strides = array<i32>} : memref<100x64xf32, #tpu.memory_space<vmem>>, vector<1x16xf32>,
        %get3A_419 = vector.shape_cast %get3A_418 : vector<1x16xf32> to vector<16xf32>
        %max3A_420 = arith.maximumf %max3A_396, %get3A_419 : vector<16xf32>
        %get3A_421 = arith.index_cast %add3A_410 : i32 to index
        %get3A_422 = arith.constant 32 : index
        %get3A_423 = tpu.vector_load %arg8[%get3A_421, %get3A_422] {strides = array<i32>} : memref<100x64xf32, #tpu.memory_space<vmem>>, vector<1x16xf32>,
        %get3A_424 = vector.shape_cast %get3A_423 : vector<1x16xf32> to vector<16xf32>
        %max3A_425 = arith.maximumf %max3A_401, %get3A_424 : vector<16xf32>
        %get3A_426 = arith.index_cast %add3A_410 : i32 to index
        %get3A_427 = arith.constant 48 : index
        %get3A_428 = tpu.vector_load %arg8[%get3A_426, %get3A_427] {strides = array<i32>} : memref<100x64xf32, #tpu.memory_space<vmem>>, vector<1x16xf32>,
        %get3A_429 = vector.shape_cast %get3A_428 : vector<1x16xf32> to vector<16xf32>
        %max3A_430 = arith.maximumf %max3A_406, %get3A_429 : vector<16xf32>
        scf.yield %max3A_415, %max3A_420, %max3A_425, %max3A_430 : vector<16xf32>, vector<16xf32>, vector<16xf32>, vector<16xf32>
      }
      %scan3A_139 = arith.constant 10 : i32
      %lt3A_140 = arith.constant 63 : i32
      %lt3A_141 = arith.cmpi slt, %scan3A_37, %lt3A_140 : i32
      %convert_element_type3A_142 = arith.extui %lt3A_141 : i1 to i32
      %cond3A_143 = arith.constant 0 : i32
      %cond3A_144 = arith.cmpi ne, %convert_element_type3A_142, %cond3A_143 : i32
      scf.if %cond3A_144 {
        %add3A_188 = arith.constant 4 : i32
        %add3A_189 = arith.addi %add3A_127, %add3A_188 : i32
        %dma_start3A_190 = arith.constant 0 : i32
        %dma_start3A_191 = tpu.memref_slice %arg5[%add3A_189, %dma_start3A_190] : memref<256x100xi32, #tpu.memory_space<vmem>> -> memref<1x100xi32, #tpu.memory_space<vmem>>
        %dma_start3A_192 = tpu.memref_squeeze %dma_start3A_191 : memref<1x100xi32, #tpu.memory_space<vmem>> -> memref<100xi32, #tpu.memory_space<vmem>>
        %dma_start3A_193 = arith.constant 0 : i32
        %dma_start3A_194 = arith.constant 0 : i32
        %dma_start3A_195 = tpu.memref_slice %arg3[%dma_start3A_193, %dma_start3A_194] : memref<1015808x64xf32, #tpu.memory_space<hbm>> -> memref<1015808x64xf32, #tpu.memory_space<hbm>>
        tpu.enqueue_indirect_dma source(%dma_start3A_195 : memref<1015808x64xf32, #tpu.memory_space<hbm>>) target(%arg8 : memref<100x64xf32, #tpu.memory_space<vmem>>) offsets(%dma_start3A_192 : memref<100xi32, #tpu.memory_space<vmem>>) semaphore(%arg13 : memref<!tpu.dma_semaphore, #tpu.memory_space<semaphore_mem>>)
      } else {
      }
      %mul3A_145 = arith.constant 4 : i32
      %mul3A_146 = arith.muli %mul3A_145, %scan3A_37 : i32
      %add3A_147 = arith.constant 2 : i32
      %add3A_148 = arith.addi %mul3A_146, %add3A_147 : i32
      %add3A_149 = arith.constant 1 : i32
      %add3A_150 = arith.addi %add3A_148, %add3A_149 : i32
      %dma_wait3A_151 = arith.constant 0 : i32
      %dma_wait3A_152 = tpu.memref_slice %arg5[%add3A_150, %dma_wait3A_151] : memref<256x100xi32, #tpu.memory_space<vmem>> -> memref<1x100xi32, #tpu.memory_space<vmem>>
      %dma_wait3A_153 = tpu.memref_squeeze %dma_wait3A_152 : memref<1x100xi32, #tpu.memory_space<vmem>> -> memref<100xi32, #tpu.memory_space<vmem>>
      %dma_wait3A_154 = arith.constant 0 : i32
      %dma_wait3A_155 = arith.constant 0 : i32
      %dma_wait3A_156 = tpu.memref_slice %arg3[%dma_wait3A_154, %dma_wait3A_155] : memref<1015808x64xf32, #tpu.memory_space<hbm>> -> memref<1015808x64xf32, #tpu.memory_space<hbm>>
      tpu.wait_indirect_dma semaphore(%arg14 : memref<!tpu.dma_semaphore, #tpu.memory_space<semaphore_mem>>) src(%dma_wait3A_156 : memref<1015808x64xf32, #tpu.memory_space<hbm>>) dst(%arg9 : memref<100x64xf32, #tpu.memory_space<vmem>>)
      %scan3A_157 = arith.constant 0 : i32
      %scan3A_158 = arith.constant 10 : i32
      %scan3A_159 = arith.addi %scan3A_157, %scan3A_158 : i32
      %scan3A_160 = arith.constant 1 : i32
      %scan3A_161:4 = scf.for %scan3A_188 = %scan3A_157 to %scan3A_159 step %scan3A_160 iter_args(%scan3A_189 = %scan3A_138#0, %scan3A_190 = %scan3A_138#1, %scan3A_191 = %scan3A_138#2, %scan3A_192 = %scan3A_138#3) -> (vector<16xf32>, vector<16xf32>, vector<16xf32>, vector<16xf32>)  : i32 {
        %mul3A_193 = arith.constant 10 : i32
        %mul3A_194 = arith.muli %scan3A_188, %mul3A_193 : i32
        %add3A_195 = arith.constant 0 : i32
        %add3A_196 = arith.addi %mul3A_194, %add3A_195 : i32
        %get3A = arith.index_cast %add3A_196 : i32 to index
        %get3A_197 = arith.constant 0 : index
        %get3A_198 = tpu.vector_load %arg9[%get3A, %get3A_197] {strides = array<i32>} : memref<100x64xf32, #tpu.memory_space<vmem>>, vector<1x16xf32>,
        %get3A_199 = vector.shape_cast %get3A_198 : vector<1x16xf32> to vector<16xf32>
        %max3A = arith.maximumf %scan3A_189, %get3A_199 : vector<16xf32>
        %get3A_200 = arith.index_cast %add3A_196 : i32 to index
        %get3A_201 = arith.constant 16 : index
        %get3A_202 = tpu.vector_load %arg9[%get3A_200, %get3A_201] {strides = array<i32>} : memref<100x64xf32, #tpu.memory_space<vmem>>, vector<1x16xf32>,
        %get3A_203 = vector.shape_cast %get3A_202 : vector<1x16xf32> to vector<16xf32>
        %max3A_204 = arith.maximumf %scan3A_190, %get3A_203 : vector<16xf32>
        %get3A_205 = arith.index_cast %add3A_196 : i32 to index
        %get3A_206 = arith.constant 32 : index
        %get3A_207 = tpu.vector_load %arg9[%get3A_205, %get3A_206] {strides = array<i32>} : memref<100x64xf32, #tpu.memory_space<vmem>>, vector<1x16xf32>,
        %get3A_208 = vector.shape_cast %get3A_207 : vector<1x16xf32> to vector<16xf32>
        %max3A_209 = arith.maximumf %scan3A_191, %get3A_208 : vector<16xf32>
        %get3A_210 = arith.index_cast %add3A_196 : i32 to index
        %get3A_211 = arith.constant 48 : index
        %get3A_212 = tpu.vector_load %arg9[%get3A_210, %get3A_211] {strides = array<i32>} : memref<100x64xf32, #tpu.memory_space<vmem>>, vector<1x16xf32>,
        %get3A_213 = vector.shape_cast %get3A_212 : vector<1x16xf32> to vector<16xf32>
        %max3A_214 = arith.maximumf %scan3A_192, %get3A_213 : vector<16xf32>
        %mul3A_215 = arith.constant 10 : i32
        %mul3A_216 = arith.muli %scan3A_188, %mul3A_215 : i32
        %add3A_217 = arith.constant 1 : i32
        %add3A_218 = arith.addi %mul3A_216, %add3A_217 : i32
        %get3A_219 = arith.index_cast %add3A_218 : i32 to index
        %get3A_220 = arith.constant 0 : index
        %get3A_221 = tpu.vector_load %arg9[%get3A_219, %get3A_220] {strides = array<i32>} : memref<100x64xf32, #tpu.memory_space<vmem>>, vector<1x16xf32>,
        %get3A_222 = vector.shape_cast %get3A_221 : vector<1x16xf32> to vector<16xf32>
        %max3A_223 = arith.maximumf %max3A, %get3A_222 : vector<16xf32>
        %get3A_224 = arith.index_cast %add3A_218 : i32 to index
        %get3A_225 = arith.constant 16 : index
        %get3A_226 = tpu.vector_load %arg9[%get3A_224, %get3A_225] {strides = array<i32>} : memref<100x64xf32, #tpu.memory_space<vmem>>, vector<1x16xf32>,
        %get3A_227 = vector.shape_cast %get3A_226 : vector<1x16xf32> to vector<16xf32>
        %max3A_228 = arith.maximumf %max3A_204, %get3A_227 : vector<16xf32>
        %get3A_229 = arith.index_cast %add3A_218 : i32 to index
        %get3A_230 = arith.constant 32 : index
        %get3A_231 = tpu.vector_load %arg9[%get3A_229, %get3A_230] {strides = array<i32>} : memref<100x64xf32, #tpu.memory_space<vmem>>, vector<1x16xf32>,
        %get3A_232 = vector.shape_cast %get3A_231 : vector<1x16xf32> to vector<16xf32>
        %max3A_233 = arith.maximumf %max3A_209, %get3A_232 : vector<16xf32>
        %get3A_234 = arith.index_cast %add3A_218 : i32 to index
        %get3A_235 = arith.constant 48 : index
        %get3A_236 = tpu.vector_load %arg9[%get3A_234, %get3A_235] {strides = array<i32>} : memref<100x64xf32, #tpu.memory_space<vmem>>, vector<1x16xf32>,
        %get3A_237 = vector.shape_cast %get3A_236 : vector<1x16xf32> to vector<16xf32>
        %max3A_238 = arith.maximumf %max3A_214, %get3A_237 : vector<16xf32>
        %mul3A_239 = arith.constant 10 : i32
        %mul3A_240 = arith.muli %scan3A_188, %mul3A_239 : i32
        %add3A_241 = arith.constant 2 : i32
        %add3A_242 = arith.addi %mul3A_240, %add3A_241 : i32
        %get3A_243 = arith.index_cast %add3A_242 : i32 to index
        %get3A_244 = arith.constant 0 : index
        %get3A_245 = tpu.vector_load %arg9[%get3A_243, %get3A_244] {strides = array<i32>} : memref<100x64xf32, #tpu.memory_space<vmem>>, vector<1x16xf32>,
        %get3A_246 = vector.shape_cast %get3A_245 : vector<1x16xf32> to vector<16xf32>
        %max3A_247 = arith.maximumf %max3A_223, %get3A_246 : vector<16xf32>
        %get3A_248 = arith.index_cast %add3A_242 : i32 to index
        %get3A_249 = arith.constant 16 : index
        %get3A_250 = tpu.vector_load %arg9[%get3A_248, %get3A_249] {strides = array<i32>} : memref<100x64xf32, #tpu.memory_space<vmem>>, vector<1x16xf32>,
        %get3A_251 = vector.shape_cast %get3A_250 : vector<1x16xf32> to vector<16xf32>
        %max3A_252 = arith.maximumf %max3A_228, %get3A_251 : vector<16xf32>
        %get3A_253 = arith.index_cast %add3A_242 : i32 to index
        %get3A_254 = arith.constant 32 : index
        %get3A_255 = tpu.vector_load %arg9[%get3A_253, %get3A_254] {strides = array<i32>} : memref<100x64xf32, #tpu.memory_space<vmem>>, vector<1x16xf32>,
        %get3A_256 = vector.shape_cast %get3A_255 : vector<1x16xf32> to vector<16xf32>
        %max3A_257 = arith.maximumf %max3A_233, %get3A_256 : vector<16xf32>
        %get3A_258 = arith.index_cast %add3A_242 : i32 to index
        %get3A_259 = arith.constant 48 : index
        %get3A_260 = tpu.vector_load %arg9[%get3A_258, %get3A_259] {strides = array<i32>} : memref<100x64xf32, #tpu.memory_space<vmem>>, vector<1x16xf32>,
        %get3A_261 = vector.shape_cast %get3A_260 : vector<1x16xf32> to vector<16xf32>
        %max3A_262 = arith.maximumf %max3A_238, %get3A_261 : vector<16xf32>
        %mul3A_263 = arith.constant 10 : i32
        %mul3A_264 = arith.muli %scan3A_188, %mul3A_263 : i32
        %add3A_265 = arith.constant 3 : i32
        %add3A_266 = arith.addi %mul3A_264, %add3A_265 : i32
        %get3A_267 = arith.index_cast %add3A_266 : i32 to index
        %get3A_268 = arith.constant 0 : index
        %get3A_269 = tpu.vector_load %arg9[%get3A_267, %get3A_268] {strides = array<i32>} : memref<100x64xf32, #tpu.memory_space<vmem>>, vector<1x16xf32>,
        %get3A_270 = vector.shape_cast %get3A_269 : vector<1x16xf32> to vector<16xf32>
        %max3A_271 = arith.maximumf %max3A_247, %get3A_270 : vector<16xf32>
        %get3A_272 = arith.index_cast %add3A_266 : i32 to index
        %get3A_273 = arith.constant 16 : index
        %get3A_274 = tpu.vector_load %arg9[%get3A_272, %get3A_273] {strides = array<i32>} : memref<100x64xf32, #tpu.memory_space<vmem>>, vector<1x16xf32>,
        %get3A_275 = vector.shape_cast %get3A_274 : vector<1x16xf32> to vector<16xf32>
        %max3A_276 = arith.maximumf %max3A_252, %get3A_275 : vector<16xf32>
        %get3A_277 = arith.index_cast %add3A_266 : i32 to index
        %get3A_278 = arith.constant 32 : index
        %get3A_279 = tpu.vector_load %arg9[%get3A_277, %get3A_278] {strides = array<i32>} : memref<100x64xf32, #tpu.memory_space<vmem>>, vector<1x16xf32>,
        %get3A_280 = vector.shape_cast %get3A_279 : vector<1x16xf32> to vector<16xf32>
        %max3A_281 = arith.maximumf %max3A_257, %get3A_280 : vector<16xf32>
        %get3A_282 = arith.index_cast %add3A_266 : i32 to index
        %get3A_283 = arith.constant 48 : index
        %get3A_284 = tpu.vector_load %arg9[%get3A_282, %get3A_283] {strides = array<i32>} : memref<100x64xf32, #tpu.memory_space<vmem>>, vector<1x16xf32>,
        %get3A_285 = vector.shape_cast %get3A_284 : vector<1x16xf32> to vector<16xf32>
        %max3A_286 = arith.maximumf %max3A_262, %get3A_285 : vector<16xf32>
        %mul3A_287 = arith.constant 10 : i32
        %mul3A_288 = arith.muli %scan3A_188, %mul3A_287 : i32
        %add3A_289 = arith.constant 4 : i32
        %add3A_290 = arith.addi %mul3A_288, %add3A_289 : i32
        %get3A_291 = arith.index_cast %add3A_290 : i32 to index
        %get3A_292 = arith.constant 0 : index
        %get3A_293 = tpu.vector_load %arg9[%get3A_291, %get3A_292] {strides = array<i32>} : memref<100x64xf32, #tpu.memory_space<vmem>>, vector<1x16xf32>,
        %get3A_294 = vector.shape_cast %get3A_293 : vector<1x16xf32> to vector<16xf32>
        %max3A_295 = arith.maximumf %max3A_271, %get3A_294 : vector<16xf32>
        %get3A_296 = arith.index_cast %add3A_290 : i32 to index
        %get3A_297 = arith.constant 16 : index
        %get3A_298 = tpu.vector_load %arg9[%get3A_296, %get3A_297] {strides = array<i32>} : memref<100x64xf32, #tpu.memory_space<vmem>>, vector<1x16xf32>,
        %get3A_299 = vector.shape_cast %get3A_298 : vector<1x16xf32> to vector<16xf32>
        %max3A_300 = arith.maximumf %max3A_276, %get3A_299 : vector<16xf32>
        %get3A_301 = arith.index_cast %add3A_290 : i32 to index
        %get3A_302 = arith.constant 32 : index
        %get3A_303 = tpu.vector_load %arg9[%get3A_301, %get3A_302] {strides = array<i32>} : memref<100x64xf32, #tpu.memory_space<vmem>>, vector<1x16xf32>,
        %get3A_304 = vector.shape_cast %get3A_303 : vector<1x16xf32> to vector<16xf32>
        %max3A_305 = arith.maximumf %max3A_281, %get3A_304 : vector<16xf32>
        %get3A_306 = arith.index_cast %add3A_290 : i32 to index
        %get3A_307 = arith.constant 48 : index
        %get3A_308 = tpu.vector_load %arg9[%get3A_306, %get3A_307] {strides = array<i32>} : memref<100x64xf32, #tpu.memory_space<vmem>>, vector<1x16xf32>,
        %get3A_309 = vector.shape_cast %get3A_308 : vector<1x16xf32> to vector<16xf32>
        %max3A_310 = arith.maximumf %max3A_286, %get3A_309 : vector<16xf32>
        %mul3A_311 = arith.constant 10 : i32
        %mul3A_312 = arith.muli %scan3A_188, %mul3A_311 : i32
        %add3A_313 = arith.constant 5 : i32
        %add3A_314 = arith.addi %mul3A_312, %add3A_313 : i32
        %get3A_315 = arith.index_cast %add3A_314 : i32 to index
        %get3A_316 = arith.constant 0 : index
        %get3A_317 = tpu.vector_load %arg9[%get3A_315, %get3A_316] {strides = array<i32>} : memref<100x64xf32, #tpu.memory_space<vmem>>, vector<1x16xf32>,
        %get3A_318 = vector.shape_cast %get3A_317 : vector<1x16xf32> to vector<16xf32>
        %max3A_319 = arith.maximumf %max3A_295, %get3A_318 : vector<16xf32>
        %get3A_320 = arith.index_cast %add3A_314 : i32 to index
        %get3A_321 = arith.constant 16 : index
        %get3A_322 = tpu.vector_load %arg9[%get3A_320, %get3A_321] {strides = array<i32>} : memref<100x64xf32, #tpu.memory_space<vmem>>, vector<1x16xf32>,
        %get3A_323 = vector.shape_cast %get3A_322 : vector<1x16xf32> to vector<16xf32>
        %max3A_324 = arith.maximumf %max3A_300, %get3A_323 : vector<16xf32>
        %get3A_325 = arith.index_cast %add3A_314 : i32 to index
        %get3A_326 = arith.constant 32 : index
        %get3A_327 = tpu.vector_load %arg9[%get3A_325, %get3A_326] {strides = array<i32>} : memref<100x64xf32, #tpu.memory_space<vmem>>, vector<1x16xf32>,
        %get3A_328 = vector.shape_cast %get3A_327 : vector<1x16xf32> to vector<16xf32>
        %max3A_329 = arith.maximumf %max3A_305, %get3A_328 : vector<16xf32>
        %get3A_330 = arith.index_cast %add3A_314 : i32 to index
        %get3A_331 = arith.constant 48 : index
        %get3A_332 = tpu.vector_load %arg9[%get3A_330, %get3A_331] {strides = array<i32>} : memref<100x64xf32, #tpu.memory_space<vmem>>, vector<1x16xf32>,
        %get3A_333 = vector.shape_cast %get3A_332 : vector<1x16xf32> to vector<16xf32>
        %max3A_334 = arith.maximumf %max3A_310, %get3A_333 : vector<16xf32>
        %mul3A_335 = arith.constant 10 : i32
        %mul3A_336 = arith.muli %scan3A_188, %mul3A_335 : i32
        %add3A_337 = arith.constant 6 : i32
        %add3A_338 = arith.addi %mul3A_336, %add3A_337 : i32
        %get3A_339 = arith.index_cast %add3A_338 : i32 to index
        %get3A_340 = arith.constant 0 : index
        %get3A_341 = tpu.vector_load %arg9[%get3A_339, %get3A_340] {strides = array<i32>} : memref<100x64xf32, #tpu.memory_space<vmem>>, vector<1x16xf32>,
        %get3A_342 = vector.shape_cast %get3A_341 : vector<1x16xf32> to vector<16xf32>
        %max3A_343 = arith.maximumf %max3A_319, %get3A_342 : vector<16xf32>
        %get3A_344 = arith.index_cast %add3A_338 : i32 to index
        %get3A_345 = arith.constant 16 : index
        %get3A_346 = tpu.vector_load %arg9[%get3A_344, %get3A_345] {strides = array<i32>} : memref<100x64xf32, #tpu.memory_space<vmem>>, vector<1x16xf32>,
        %get3A_347 = vector.shape_cast %get3A_346 : vector<1x16xf32> to vector<16xf32>
        %max3A_348 = arith.maximumf %max3A_324, %get3A_347 : vector<16xf32>
        %get3A_349 = arith.index_cast %add3A_338 : i32 to index
        %get3A_350 = arith.constant 32 : index
        %get3A_351 = tpu.vector_load %arg9[%get3A_349, %get3A_350] {strides = array<i32>} : memref<100x64xf32, #tpu.memory_space<vmem>>, vector<1x16xf32>,
        %get3A_352 = vector.shape_cast %get3A_351 : vector<1x16xf32> to vector<16xf32>
        %max3A_353 = arith.maximumf %max3A_329, %get3A_352 : vector<16xf32>
        %get3A_354 = arith.index_cast %add3A_338 : i32 to index
        %get3A_355 = arith.constant 48 : index
        %get3A_356 = tpu.vector_load %arg9[%get3A_354, %get3A_355] {strides = array<i32>} : memref<100x64xf32, #tpu.memory_space<vmem>>, vector<1x16xf32>,
        %get3A_357 = vector.shape_cast %get3A_356 : vector<1x16xf32> to vector<16xf32>
        %max3A_358 = arith.maximumf %max3A_334, %get3A_357 : vector<16xf32>
        %mul3A_359 = arith.constant 10 : i32
        %mul3A_360 = arith.muli %scan3A_188, %mul3A_359 : i32
        %add3A_361 = arith.constant 7 : i32
        %add3A_362 = arith.addi %mul3A_360, %add3A_361 : i32
        %get3A_363 = arith.index_cast %add3A_362 : i32 to index
        %get3A_364 = arith.constant 0 : index
        %get3A_365 = tpu.vector_load %arg9[%get3A_363, %get3A_364] {strides = array<i32>} : memref<100x64xf32, #tpu.memory_space<vmem>>, vector<1x16xf32>,
        %get3A_366 = vector.shape_cast %get3A_365 : vector<1x16xf32> to vector<16xf32>
        %max3A_367 = arith.maximumf %max3A_343, %get3A_366 : vector<16xf32>
        %get3A_368 = arith.index_cast %add3A_362 : i32 to index
        %get3A_369 = arith.constant 16 : index
        %get3A_370 = tpu.vector_load %arg9[%get3A_368, %get3A_369] {strides = array<i32>} : memref<100x64xf32, #tpu.memory_space<vmem>>, vector<1x16xf32>,
        %get3A_371 = vector.shape_cast %get3A_370 : vector<1x16xf32> to vector<16xf32>
        %max3A_372 = arith.maximumf %max3A_348, %get3A_371 : vector<16xf32>
        %get3A_373 = arith.index_cast %add3A_362 : i32 to index
        %get3A_374 = arith.constant 32 : index
        %get3A_375 = tpu.vector_load %arg9[%get3A_373, %get3A_374] {strides = array<i32>} : memref<100x64xf32, #tpu.memory_space<vmem>>, vector<1x16xf32>,
        %get3A_376 = vector.shape_cast %get3A_375 : vector<1x16xf32> to vector<16xf32>
        %max3A_377 = arith.maximumf %max3A_353, %get3A_376 : vector<16xf32>
        %get3A_378 = arith.index_cast %add3A_362 : i32 to index
        %get3A_379 = arith.constant 48 : index
        %get3A_380 = tpu.vector_load %arg9[%get3A_378, %get3A_379] {strides = array<i32>} : memref<100x64xf32, #tpu.memory_space<vmem>>, vector<1x16xf32>,
        %get3A_381 = vector.shape_cast %get3A_380 : vector<1x16xf32> to vector<16xf32>
        %max3A_382 = arith.maximumf %max3A_358, %get3A_381 : vector<16xf32>
        %mul3A_383 = arith.constant 10 : i32
        %mul3A_384 = arith.muli %scan3A_188, %mul3A_383 : i32
        %add3A_385 = arith.constant 8 : i32
        %add3A_386 = arith.addi %mul3A_384, %add3A_385 : i32
        %get3A_387 = arith.index_cast %add3A_386 : i32 to index
        %get3A_388 = arith.constant 0 : index
        %get3A_389 = tpu.vector_load %arg9[%get3A_387, %get3A_388] {strides = array<i32>} : memref<100x64xf32, #tpu.memory_space<vmem>>, vector<1x16xf32>,
        %get3A_390 = vector.shape_cast %get3A_389 : vector<1x16xf32> to vector<16xf32>
        %max3A_391 = arith.maximumf %max3A_367, %get3A_390 : vector<16xf32>
        %get3A_392 = arith.index_cast %add3A_386 : i32 to index
        %get3A_393 = arith.constant 16 : index
        %get3A_394 = tpu.vector_load %arg9[%get3A_392, %get3A_393] {strides = array<i32>} : memref<100x64xf32, #tpu.memory_space<vmem>>, vector<1x16xf32>,
        %get3A_395 = vector.shape_cast %get3A_394 : vector<1x16xf32> to vector<16xf32>
        %max3A_396 = arith.maximumf %max3A_372, %get3A_395 : vector<16xf32>
        %get3A_397 = arith.index_cast %add3A_386 : i32 to index
        %get3A_398 = arith.constant 32 : index
        %get3A_399 = tpu.vector_load %arg9[%get3A_397, %get3A_398] {strides = array<i32>} : memref<100x64xf32, #tpu.memory_space<vmem>>, vector<1x16xf32>,
        %get3A_400 = vector.shape_cast %get3A_399 : vector<1x16xf32> to vector<16xf32>
        %max3A_401 = arith.maximumf %max3A_377, %get3A_400 : vector<16xf32>
        %get3A_402 = arith.index_cast %add3A_386 : i32 to index
        %get3A_403 = arith.constant 48 : index
        %get3A_404 = tpu.vector_load %arg9[%get3A_402, %get3A_403] {strides = array<i32>} : memref<100x64xf32, #tpu.memory_space<vmem>>, vector<1x16xf32>,
        %get3A_405 = vector.shape_cast %get3A_404 : vector<1x16xf32> to vector<16xf32>
        %max3A_406 = arith.maximumf %max3A_382, %get3A_405 : vector<16xf32>
        %mul3A_407 = arith.constant 10 : i32
        %mul3A_408 = arith.muli %scan3A_188, %mul3A_407 : i32
        %add3A_409 = arith.constant 9 : i32
        %add3A_410 = arith.addi %mul3A_408, %add3A_409 : i32
        %get3A_411 = arith.index_cast %add3A_410 : i32 to index
        %get3A_412 = arith.constant 0 : index
        %get3A_413 = tpu.vector_load %arg9[%get3A_411, %get3A_412] {strides = array<i32>} : memref<100x64xf32, #tpu.memory_space<vmem>>, vector<1x16xf32>,
        %get3A_414 = vector.shape_cast %get3A_413 : vector<1x16xf32> to vector<16xf32>
        %max3A_415 = arith.maximumf %max3A_391, %get3A_414 : vector<16xf32>
        %get3A_416 = arith.index_cast %add3A_410 : i32 to index
        %get3A_417 = arith.constant 16 : index
        %get3A_418 = tpu.vector_load %arg9[%get3A_416, %get3A_417] {strides = array<i32>} : memref<100x64xf32, #tpu.memory_space<vmem>>, vector<1x16xf32>,
        %get3A_419 = vector.shape_cast %get3A_418 : vector<1x16xf32> to vector<16xf32>
        %max3A_420 = arith.maximumf %max3A_396, %get3A_419 : vector<16xf32>
        %get3A_421 = arith.index_cast %add3A_410 : i32 to index
        %get3A_422 = arith.constant 32 : index
        %get3A_423 = tpu.vector_load %arg9[%get3A_421, %get3A_422] {strides = array<i32>} : memref<100x64xf32, #tpu.memory_space<vmem>>, vector<1x16xf32>,
        %get3A_424 = vector.shape_cast %get3A_423 : vector<1x16xf32> to vector<16xf32>
        %max3A_425 = arith.maximumf %max3A_401, %get3A_424 : vector<16xf32>
        %get3A_426 = arith.index_cast %add3A_410 : i32 to index
        %get3A_427 = arith.constant 48 : index
        %get3A_428 = tpu.vector_load %arg9[%get3A_426, %get3A_427] {strides = array<i32>} : memref<100x64xf32, #tpu.memory_space<vmem>>, vector<1x16xf32>,
        %get3A_429 = vector.shape_cast %get3A_428 : vector<1x16xf32> to vector<16xf32>
        %max3A_430 = arith.maximumf %max3A_406, %get3A_429 : vector<16xf32>
        scf.yield %max3A_415, %max3A_420, %max3A_425, %max3A_430 : vector<16xf32>, vector<16xf32>, vector<16xf32>, vector<16xf32>
      }
      %scan3A_162 = arith.constant 10 : i32
      %lt3A_163 = arith.constant 63 : i32
      %lt3A_164 = arith.cmpi slt, %scan3A_37, %lt3A_163 : i32
      %convert_element_type3A_165 = arith.extui %lt3A_164 : i1 to i32
      %cond3A_166 = arith.constant 0 : i32
      %cond3A_167 = arith.cmpi ne, %convert_element_type3A_165, %cond3A_166 : i32
      scf.if %cond3A_167 {
        %add3A_188 = arith.constant 4 : i32
        %add3A_189 = arith.addi %add3A_150, %add3A_188 : i32
        %dma_start3A_190 = arith.constant 0 : i32
        %dma_start3A_191 = tpu.memref_slice %arg5[%add3A_189, %dma_start3A_190] : memref<256x100xi32, #tpu.memory_space<vmem>> -> memref<1x100xi32, #tpu.memory_space<vmem>>
        %dma_start3A_192 = tpu.memref_squeeze %dma_start3A_191 : memref<1x100xi32, #tpu.memory_space<vmem>> -> memref<100xi32, #tpu.memory_space<vmem>>
        %dma_start3A_193 = arith.constant 0 : i32
        %dma_start3A_194 = arith.constant 0 : i32
        %dma_start3A_195 = tpu.memref_slice %arg3[%dma_start3A_193, %dma_start3A_194] : memref<1015808x64xf32, #tpu.memory_space<hbm>> -> memref<1015808x64xf32, #tpu.memory_space<hbm>>
        tpu.enqueue_indirect_dma source(%dma_start3A_195 : memref<1015808x64xf32, #tpu.memory_space<hbm>>) target(%arg9 : memref<100x64xf32, #tpu.memory_space<vmem>>) offsets(%dma_start3A_192 : memref<100xi32, #tpu.memory_space<vmem>>) semaphore(%arg14 : memref<!tpu.dma_semaphore, #tpu.memory_space<semaphore_mem>>)
      } else {
      }
      %swap3A_168 = arith.index_cast %add3A_113 : i32 to index
      %swap3A_169 = arith.constant 0 : index
      %swap3A_170 = tpu.vector_load %arg10[%swap3A_168, %swap3A_169] {strides = array<i32>} : memref<128x64xf32, #tpu.memory_space<vmem>>, vector<1x16xf32>,
      %swap3A_171 = vector.shape_cast %swap3A_170 : vector<1x16xf32> to vector<16xf32>
      %swap3A_172 = vector.shape_cast %scan3A_161#0 : vector<16xf32> to vector<1x16xf32>
      tpu.vector_store %arg10[%swap3A_168, %swap3A_169], %swap3A_172 {strides = array<i32>} : memref<128x64xf32, #tpu.memory_space<vmem>>, vector<1x16xf32>,
      %swap3A_173 = arith.index_cast %add3A_113 : i32 to index
      %swap3A_174 = arith.constant 16 : index
      %swap3A_175 = tpu.vector_load %arg10[%swap3A_173, %swap3A_174] {strides = array<i32>} : memref<128x64xf32, #tpu.memory_space<vmem>>, vector<1x16xf32>,
      %swap3A_176 = vector.shape_cast %swap3A_175 : vector<1x16xf32> to vector<16xf32>
      %swap3A_177 = vector.shape_cast %scan3A_161#1 : vector<16xf32> to vector<1x16xf32>
      tpu.vector_store %arg10[%swap3A_173, %swap3A_174], %swap3A_177 {strides = array<i32>} : memref<128x64xf32, #tpu.memory_space<vmem>>, vector<1x16xf32>,
      %swap3A_178 = arith.index_cast %add3A_113 : i32 to index
      %swap3A_179 = arith.constant 32 : index
      %swap3A_180 = tpu.vector_load %arg10[%swap3A_178, %swap3A_179] {strides = array<i32>} : memref<128x64xf32, #tpu.memory_space<vmem>>, vector<1x16xf32>,
      %swap3A_181 = vector.shape_cast %swap3A_180 : vector<1x16xf32> to vector<16xf32>
      %swap3A_182 = vector.shape_cast %scan3A_161#2 : vector<16xf32> to vector<1x16xf32>
      tpu.vector_store %arg10[%swap3A_178, %swap3A_179], %swap3A_182 {strides = array<i32>} : memref<128x64xf32, #tpu.memory_space<vmem>>, vector<1x16xf32>,
      %swap3A_183 = arith.index_cast %add3A_113 : i32 to index
      %swap3A_184 = arith.constant 48 : index
      %swap3A_185 = tpu.vector_load %arg10[%swap3A_183, %swap3A_184] {strides = array<i32>} : memref<128x64xf32, #tpu.memory_space<vmem>>, vector<1x16xf32>,
      %swap3A_186 = vector.shape_cast %swap3A_185 : vector<1x16xf32> to vector<16xf32>
      %swap3A_187 = vector.shape_cast %scan3A_161#3 : vector<16xf32> to vector<1x16xf32>
      tpu.vector_store %arg10[%swap3A_183, %swap3A_184], %swap3A_187 {strides = array<i32>} : memref<128x64xf32, #tpu.memory_space<vmem>>, vector<1x16xf32>,
    }
    %scan3A_34 = arith.constant 64 : i32
    %mul3A_35 = arith.constant 128 : i32
    %mul3A_36 = arith.muli %add3A, %mul3A_35 : i32
    "tpu.region"() ({
      %run_scoped3A = tpu.sem_alloc : memref<!tpu.dma_semaphore, #tpu.memory_space<semaphore_mem>>
      %dma_start3A_37 = arith.constant 0 : i32
      %dma_start3A_38 = tpu.memref_slice %arg4[%mul3A_36, %dma_start3A_37] : memref<4096x64xf32, #tpu.memory_space<hbm>> -> memref<128x64xf32, #tpu.memory_space<hbm>>
      %dma_start3A_39 = arith.constant 0 : i32
      %dma_start3A_40 = tpu.memref_slice %arg4[%mul3A_36, %dma_start3A_39] : memref<4096x64xf32, #tpu.memory_space<hbm>> -> memref<128x64xf32, #tpu.memory_space<hbm>>
      tpu.enqueue_dma source(%arg10 : memref<128x64xf32, #tpu.memory_space<vmem>>) target(%dma_start3A_40 : memref<128x64xf32, #tpu.memory_space<hbm>>) target_semaphore(%run_scoped3A : memref<!tpu.dma_semaphore, #tpu.memory_space<semaphore_mem>>)
      %dma_wait3A = arith.constant 0 : i32
      %dma_wait3A_41 = tpu.memref_slice %arg4[%mul3A_36, %dma_wait3A] : memref<4096x64xf32, #tpu.memory_space<hbm>> -> memref<128x64xf32, #tpu.memory_space<hbm>>
      %dma_wait3A_42 = arith.constant 0 : i32
      %dma_wait3A_43 = tpu.memref_slice %arg4[%mul3A_36, %dma_wait3A_42] : memref<4096x64xf32, #tpu.memory_space<hbm>> -> memref<128x64xf32, #tpu.memory_space<hbm>>
      tpu.wait_dma2 semaphore(%run_scoped3A : memref<!tpu.dma_semaphore, #tpu.memory_space<semaphore_mem>>) src(%arg10 : memref<128x64xf32, #tpu.memory_space<vmem>>) dst(%dma_wait3A_43 : memref<128x64xf32, #tpu.memory_space<hbm>>)
      tpu.yield
    }) : () -> ()
    return
  }
}

module attributes {stable_mosaic.version = 14 : i64} {
  func.func @tr(%arg0: i32, %arg1: memref<64x16384xf32, #tpu.memory_space<vmem>>, %arg2: memref<64x16384xf32, #tpu.memory_space<vmem>>, %arg3: memref<16384x128xf32, #tpu.memory_space<vmem>>) attributes {dimension_semantics = [#tpu.dimension_semantics<arbitrary>], iteration_bounds = array<i64: 31>, scalar_prefetch = 0 : i64, scratch_operands = 0 : i64, tpu.core_type = #tpu.core_type<tc>, window_params = [{transform_indices = @transform_0, window_bounds = array<i64: 64, 16384>}, {transform_indices = @transform_1, window_bounds = array<i64: 64, 16384>}, {transform_indices = @transform_2, window_bounds = array<i64: 16384, 128>}]} {
    %get3A = arith.constant 0 : index
    %get3A_0 = arith.constant 0 : index
    %get3A_1 = vector.load %arg1[%get3A, %get3A_0] : memref<64x16384xf32, #tpu.memory_space<vmem>>, vector<64x16384xf32>
    %get3A_2 = arith.constant 0 : index
    %get3A_3 = arith.constant 0 : index
    %get3A_4 = vector.load %arg2[%get3A_2, %get3A_3] : memref<64x16384xf32, #tpu.memory_space<vmem>>, vector<64x16384xf32>
    %concatenate3A = tpu.concatenate %get3A_1, %get3A_4 in 0 : vector<64x16384xf32>, vector<64x16384xf32> -> vector<128x16384xf32>
    %transpose3A = tpu.transpose %concatenate3A, [1, 0] : vector<128x16384xf32> -> vector<16384x128xf32>
    %swap3A = arith.constant 0 : index
    %swap3A_5 = arith.constant 0 : index
    %swap3A_6 = vector.load %arg3[%swap3A, %swap3A_5] : memref<16384x128xf32, #tpu.memory_space<vmem>>, vector<16384x128xf32>
    tpu.vector_store %arg3[%swap3A, %swap3A_5], %transpose3A {strides = array<i32>} : memref<16384x128xf32, #tpu.memory_space<vmem>>, vector<16384x128xf32>,
    return
  }
  func.func @transform_0(%arg0: i32) -> (i32, i32) {
    %mul3A = arith.constant 2 : i32
    %mul3A_0 = arith.muli %mul3A, %arg0 : i32
    %c0_i32 = arith.constant 0 : i32
    %c0_i32_1 = arith.constant 0 : i32
    return %c0_i32, %mul3A_0 : i32, i32
  }
  func.func @transform_1(%arg0: i32) -> (i32, i32) {
    %mul3A = arith.constant 2 : i32
    %mul3A_0 = arith.muli %mul3A, %arg0 : i32
    %add3A = arith.constant 1 : i32
    %add3A_1 = arith.addi %mul3A_0, %add3A : i32
    %min3A = arith.constant 61 : i32
    %min3A_2 = arith.minsi %add3A_1, %min3A : i32
    %c0_i32 = arith.constant 0 : i32
    %c0_i32_3 = arith.constant 0 : i32
    return %c0_i32, %min3A_2 : i32, i32
  }
  func.func @transform_2(%arg0: i32) -> (i32, i32) {
    %c0_i32 = arith.constant 0 : i32
    %c0_i32_0 = arith.constant 0 : i32
    return %arg0, %c0_i32 : i32, i32
  }
}

module attributes {stable_mosaic.version = 14 : i64} {
  func.func @mm(%arg0: memref<4096x64xf32, #tpu.memory_space<vmem>>, %arg1: memref<128x64xf32, #tpu.memory_space<vmem>>, %arg2: memref<1x128xf32, #tpu.memory_space<vmem>>, %arg3: memref<4096x128xf32, #tpu.memory_space<vmem>>) attributes {dimension_semantics = [], scalar_prefetch = 0 : i64, scratch_operands = 0 : i64, tpu.core_type = #tpu.core_type<tc>} {
    %get3A = arith.constant 0 : index
    %get3A_0 = arith.constant 0 : index
    %get3A_1 = vector.load %arg0[%get3A, %get3A_0] : memref<4096x64xf32, #tpu.memory_space<vmem>>, vector<4096x64xf32>
    %get3A_2 = arith.constant 0 : index
    %get3A_3 = arith.constant 0 : index
    %get3A_4 = vector.load %arg1[%get3A_2, %get3A_3] : memref<128x64xf32, #tpu.memory_space<vmem>>, vector<128x64xf32>
    %dot_general3A = arith.constant dense<0.000000e+00> : vector<4096x128xf32>
    %dot_general3A_5 = tpu.matmul %get3A_1, %get3A_4, %dot_general3A {dimension_numbers = #tpu.dot_dimension_numbers<[1], [1], [0], [0], [0, 0, 1, 0], [], []>, transpose_lhs_hint = false} : vector<4096x64xf32>, vector<128x64xf32>, vector<4096x128xf32> -> vector<4096x128xf32>
    %get3A_6 = arith.constant 0 : index
    %get3A_7 = arith.constant 0 : index
    %get3A_8 = vector.load %arg2[%get3A_6, %get3A_7] : memref<1x128xf32, #tpu.memory_space<vmem>>, vector<1x128xf32>
    %add3A = vector.broadcast %get3A_8 : vector<1x128xf32> to vector<4096x128xf32>
    %add3A_9 = arith.addf %dot_general3A_5, %add3A : vector<4096x128xf32>
    %swap3A = arith.constant 0 : index
    %swap3A_10 = arith.constant 0 : index
    %swap3A_11 = vector.load %arg3[%swap3A, %swap3A_10] : memref<4096x128xf32, #tpu.memory_space<vmem>>, vector<4096x128xf32>
    tpu.vector_store %arg3[%swap3A, %swap3A_10], %add3A_9 {strides = array<i32>} : memref<4096x128xf32, #tpu.memory_space<vmem>>, vector<4096x128xf32>,
    return
  }
}

</mosaic_0001>

<sc_bundles>
// kernel: kernel.5.cloned.1.call-start
scs
__scs_entry_jumppad:
0x0: {  	(pc) =	sbr.rel $0x88, $3  }
0x1: {  	(tag) =	ssettag $0x0;
	lr =	simm.s32 $0x1  }
0x2: {  	[smem:$0x3F9D] =	sst lr;
	_ =	strace $0xD0000000  }
0x3: {  	_ = 	snop  }
0x4: {  	_ = 	snop  }
0x5: {  	_ = 	snop  }
0x6: {  	_ = 	snop  }
0x7: {  	_ = 	snop  }
__scs_overlays_trampoline_lowered:
0x8: {  	[smem:$0x3FAC] =	sst s0  }
0x9: {  	[smem:$0x3FAD] =	sst s1  }
0xa: {  	[smem:$0x3FAE] =	sst s2  }
0xb: {  	[smem:$0x3FAF] =	sst s3  }
0xc: {  	[smem:$0x3FB0] =	sst s4  }
0xd: {  	[smem:$0x3FB1] =	sst s5  }
0xe: {  	[smem:$0x3FB2] =	sst s6  }
0xf: {  	[smem:$0x3FB3] =	sst s7  }
0x10: {  	[smem:$0x3FB4] =	sst s8  }
0x11: {  	[smem:$0x3FB5] =	sst s9;
	s0 =	simm.s32 @!p0 $0x0  }
0x12: {  	s1 =	sld [smem:$0x3F9B];
	s0 =	simm.s32 @p0 $0x1  }
0x13: {  	[smem:$0x3FB6] =	sst s0;
	s0 =	simm.s32 @!p1 $0x0  }
0x14: {  	s2 =	sld [smem:$0x3F9A];
	s0 =	simm.s32 @p1 $0x1  }
0x15: {  	[smem:$0x3FB7] =	sst s0;
	s0 =	simm.s32 @!p2 $0x0  }
0x16: {  	s3 =	sld [smem:$0x3FDB];
	s0 =	simm.s32 @p2 $0x1  }
0x17: {  	s4 =	simm.s32 $0x1BF5;
	[smem:$0x3FB9] =	sst s0  }
0x18: {  	s0 =	sld [smem:$0x3F9C];
	_ =	swait.ge [sflag:s4], $0x0  }
0x19: {  	s7 =	sld [smem:$0x3F9D]  }
0x1a: {  	s8 =	sadd.s32 $0xFFFFE003, lr  }
0x1b: {  	s9 =	sadd.s32 $0xFFFFFEF7, lr;
	s5 =	simm.s32 $0xFFFFFFFF;
	p2 =	slt.u32 s8, $0xFFFFF086  }
0x1c: {  	p1 =	slt.u32 s9, $0xF7A;
	s5 =	simm.s32 @!p2 $0x0  }
0x1d: {  	s5 =	simm.s32 @p1 $0x1;
	p0 =	seq.s32 s7, s2  }
0x1e: {  	s7 =	smul.u32 @!p0 $0xF7A, s2;
	p2 =	seq.s32 @!p0 s5, $0x0  }
0x1f: {  	s9 =	smul.u32 $0xF7A, s1;
	s8 =	simm.s32 @!p0 $0x1BF5;
	p2 =	por !p2, p0  }
0x20: {  	[sflag:s8] =	ssyncset.s32 @!p0 $0xFFFFF086;
	s6 =	sadd.s32 @!p0 s3, s7;
	s7 =	simm.s32 @!p0 $0x108  }
0x21: {  	s3 =	sadd.s32 s3, s9;
	s6 =	sadd.s32 @!p0 $0x88, s6;
	s7 =	simm.s32 @p2 $0x1082  }
0x22: {  	[simem:s7], [sflag:s8] =	dma.local @!p0 [hbm:s6], $0xF7A  }
0x23: {  	s9 =	sor.u32 $0xD0000000, s2;
	s6 =	simm.s32 $0x108;
	_ =	swait.ge @!p0 [sflag:s8], $0x0  }
0x24: {  	s3 =	sadd.s32 $0x88, s3;
	s6 =	simm.s32 @!p1 $0x1082;
	[sflag:s4] =	ssyncset.s32 $0xFFFFF086  }
0x25: {  	[simem:s6], [sflag:s4] =	dma.local [hbm:s3], $0xF7A  }
0x26: {  	[smem:$0x3F9D] =	sst s1;
	(tag) =	ssettag s2;
	_ =	strace s9  }
0x27: {  	s1 =	sld [smem:$0x3FAD]  }
0x28: {  	s2 =	sld [smem:$0x3FAE]  }
0x29: {  	s4 =	sld [smem:$0x3FB0]  }
0x2a: {  	p0 =	seq.s32 s5, $0x0;
	s5 =	sld [smem:$0x3FB1]  }
0x2b: {  	s6 =	sld [smem:$0x3FB2]  }
0x2c: {  	s7 =	sld [smem:$0x3FB3]  }
0x2d: {  	s3 =	simm.s32 $0x108;
	s8 =	sld [smem:$0x3FB4]  }
0x2e: {  	s3 =	simm.s32 @!p0 $0x1082;
	s9 =	sld [smem:$0x3FB5]  }
0x2f: {  	lr =	sadd.s32 s0, s3;
	s0 =	sld [smem:$0x3FAC]  }
0x30: {  	s3 =	sld [smem:$0x3FAF]  }
0x31: {  	[smem:$0x3FB8] =	sst s10  }
0x32: {  	s10 =	sld [smem:$0x3FB6];
	_ =	sdelay $0x3  }
0x33: {  	p0 =	seq.s32 s10, $0x1;
	s10 =	sld [smem:$0x3FB8];
	_ =	sdelay $0x3  }
0x34: {  	[smem:$0x3FB8] =	sst s10  }
0x35: {  	s10 =	sld [smem:$0x3FB7];
	_ =	sdelay $0x3  }
0x36: {  	p1 =	seq.s32 s10, $0x1;
	s10 =	sld [smem:$0x3FB8];
	_ =	sdelay $0x3  }
0x37: {  	[smem:$0x3FB8] =	sst s10  }
0x38: {  	s10 =	sld [smem:$0x3FB9]  }
0x39: {  	_ = 	snop;
	(pc) =	sbr.ind lr, $3  }
0x3a: {  	_ = 	snop  }
0x3b: {  	_ = 	snop  }
0x3c: {  	p2 =	seq.s32 s10, $0x1;
	s10 =	sld [smem:$0x3FB8]  }
0x3d: {  	_ =	shalt  }
0x3e: {  	_ =	shalt  }
0x3f: {  	_ =	shalt  }
0x40: {  	_ =	shalt  }
0x41: {  	_ =	shalt  }
0x42: {  	_ =	shalt  }
0x43: {  	_ =	shalt  }
0x44: {  	_ =	shalt  }
0x45: {  	_ =	shalt  }
0x46: {  	_ =	shalt  }
0x47: {  	_ =	shalt  }
0x48: {  	_ =	shalt  }
0x49: {  	_ =	shalt  }
0x4a: {  	_ =	shalt  }
0x4b: {  	_ =	shalt  }
0x4c: {  	_ =	shalt  }
0x4d: {  	_ =	shalt  }
0x4e: {  	_ =	shalt  }
0x4f: {  	_ =	shalt  }
0x50: {  	_ =	shalt  }
0x51: {  	_ =	shalt  }
0x52: {  	_ =	shalt  }
0x53: {  	_ =	shalt  }
0x54: {  	_ =	shalt  }
0x55: {  	_ =	shalt  }
0x56: {  	_ =	shalt  }
0x57: {  	_ =	shalt  }
0x58: {  	_ =	shalt  }
0x59: {  	_ =	shalt  }
0x5a: {  	_ =	shalt  }
0x5b: {  	_ =	shalt  }
0x5c: {  	_ =	shalt  }
0x5d: {  	_ =	shalt  }
0x5e: {  	_ =	shalt  }
0x5f: {  	_ =	shalt  }
0x60: {  	_ =	shalt  }
0x61: {  	_ =	shalt  }
0x62: {  	_ =	shalt  }
0x63: {  	_ =	shalt  }
0x64: {  	_ =	shalt  }
0x65: {  	_ =	shalt  }
0x66: {  	_ =	shalt  }
0x67: {  	_ =	shalt  }
0x68: {  	_ =	shalt  }
0x69: {  	_ =	shalt  }
0x6a: {  	_ =	shalt  }
0x6b: {  	_ =	shalt  }
0x6c: {  	_ =	shalt  }
0x6d: {  	_ =	shalt  }
0x6e: {  	_ =	shalt  }
0x6f: {  	_ =	shalt  }
0x70: {  	_ =	shalt  }
0x71: {  	_ =	shalt  }
0x72: {  	_ =	shalt  }
0x73: {  	_ =	shalt  }
0x74: {  	_ =	shalt  }
0x75: {  	_ =	shalt  }
0x76: {  	_ =	shalt  }
0x77: {  	_ =	shalt  }
0x78: {  	_ =	shalt  }
0x79: {  	_ =	shalt  }
0x7a: {  	_ =	shalt  }
0x7b: {  	_ =	shalt  }
0x7c: {  	_ =	shalt  }
0x7d: {  	_ =	shalt  }
0x7e: {  	_ =	shalt  }
0x7f: {  	_ =	shalt  }
0x80: {  	_ =	shalt  }
0x81: {  	_ =	shalt  }
0x82: {  	_ =	shalt  }
0x83: {  	_ =	shalt  }
0x84: {  	_ =	shalt  }
0x85: {  	_ =	shalt  }
0x86: {  	_ =	shalt  }
0x87: {  	_ =	shalt  }
.Lfunc_end0:
.L_simem_size_0:
called_computation_lowered:
.L_overlay_start_0:
0x88: {  	s2 =	sld [smem:$0x3FD9]  }
0x89: {  	s3 =	sld [smem:$0x3FFE];
	_ =	sdelay $0x1  }
0x8a: {  	s1 =	srdreg.scid  }
0x8b: {  	s0 =	sand.u32 $0x1, s1  }
0x8c: {  	s17 =	sshll.u32 s0, $0xA;
	s2 =	sadd.s32 s3, s2  }
0x8d: {  	s2 =	sadd.s32 s2, s17  }
0x8e: {  	[smem:$0x3FC4] =	sst s2  }
0x8f: {  	_ = 	snop  }
0x90: {  	s2 =	sld [smem:$0x3FD0];
	(tm) =	ssettm $0x1  }
0x91: {  	s18 =	sld [smem:$0x3FFB];
	_ =	sdelay $0x3  }
0x92: {  	_ =	strace s18  }
0x93: {  	s3 =	sld [smem:$0x3FFC];
	_ =	sdelay $0x3  }
0x94: {  	_ =	strace s3  }
0x95: {  	s3 =	sld [smem:$0x3FFD];
	_ =	sdelay $0x3  }
0x96: {  	_ =	strace s3  }
0x97: {  	_ =	strace $0x8FFFFFFF  }
0x98: {  	s19 =	sld [smem:$0x3FDB];
	_ =	sdelay $0x1  }
0x99: {  	s4 =	simm.s32 $_scs_section_size  }
0x9a: {  	s5 =	simm.s32 $_size__tile_overlayer_lowered;
	s6 =	simm.s32 $_tile_overlayer_lowered  }
0x9b: {  	s22 =	simm.s32 $0x1BFF;
	s21 =	sshll.u32 s6, $0x1;
	s3 =	sadd.s32 s4, s19  }
0x9c: {  	s7 =	simm.s32 $0x0;
	s20 =	sshll.u32 s5, $0x1;
	s5 =	sadd.s32 s21, s3  }
0x9d: {  	[timem:s7], [sflag:s22] =	dma.local [hbm:s5], s20  }
0x9e: {  	_ =	swait.ge [sflag:s22], s20  }
0x9f: {  	s4 =	ssub.s32 $0x0, s20;
	[sflag:s22] =	ssyncset.done $0x0  }
0xa0: {  	[sflag:s22] =	ssyncadd.s32 s4;
	_ =	sdelay $0x1  }
0xa1: {  	s23 =	simm.s32 $0x1B8B  }
0xa2: {  	_ =	swait.ge [sflag:s23], $0x1  }
0xa3: {  	[sflag:s23] =	ssyncset.done $0x0  }
0xa4: {  	s25 =	simm.s32 $0x1B8E;
	s24 =	sld [smem:$0x3FFE];
	[sflag:s23] =	ssyncadd.s32 $0xFFFFFFFF  }
0xa5: {  	s26 =	simm.s32 $execute0_lowered;
	[smem:$0x3FD2] =	sst s25  }
0xa6: {  	s5 =	sshll.u32 s26, $0x1;
	_ =	strace $0x80000046;
	[dreg:$0x1] =	wrdreg $0xFFFFFFFF  }
0xa7: {  	s28 =	simm.s32 $_size_execute0_lowered;
	s3 =	sadd.s32 s3, s5;
	[dreg:$0x0] =	wrdreg $0x0  }
0xa8: {  	s5 =	sshll.u32 s28, $0x1;
	[dreg:$0x2] =	wrdreg s3  }
0xa9: {  	[dreg:$0x3] =	wrdreg s5  }
0xaa: {  	[dreg:$0x4] =	wrdreg $0xC0  }
0xab: {  	_ =	task [dreg:s7], $0x5FFFF  }
0xac: {  	[dreg:$0x1] =	wrdreg $0xFFFFFFFF  }
0xad: {  	[dreg:$0x0] =	wrdreg $0x60  }
0xae: {  	[dreg:$0x2] =	wrdreg s24  }
0xaf: {  	[dreg:$0x3] =	wrdreg s2  }
0xb0: {  	[dreg:$0x4] =	wrdreg $0x9  }
0xb1: {  	_ =	task.clear_ibuf [dreg:s7], $0x5FFFF;
	_ =	strace $0x90000046  }
0xb2: {  	s29 =	simm.s32 $0x9;
	_ =	strace $0x80000048  }
0xb3: {  	_ =	swait.ge [sflag:s29], $0x1  }
0xb4: {  	[sflag:s29] =	ssyncadd.s32 $0xFFFFFFFF  }
0xb5: {  	_ =	strace $0x90000048  }
0xb6: {  	_ =	sfence  }
0xb7: {  	s30 =	sld [smem:$0x0];
	_ =	sdelay $0x2  }
0xb8: {  	s31 =	sshll.u32 s1, $0xD;
	s1 =	sshrl.u32 s1, $0x2  }
0xb9: {  	s3 =	sand.u32 $0x4000, s31;
	s1 =	sadd.s32 s1, s30  }
0xba: {  	s0 =	sor.u32 s3, s0;
	s1 =	sshll.u32 s1, $0x11  }
0xbb: {  	s0 =	sor.u32 s1, s0  }
0xbc: {  	s0 =	sadd.s32 $0x8F2B, s0  }
0xbd: {  	[sflag:s0] =	ssyncadd.remote.s32 $0x1  }
0xbe: {  	_ =	sfence.sel $0xFFFF  }
0xbf: {  	[dreg:$0x0] =	wrdreg $0xFFFFFFFF;
	(pc) =	sbr.abs _section_cstart, $3  }
0xc0: {  	[dreg:$0x1] =	wrdreg $0xFFFFFFFF  }
0xc1: {  	_ =	task.clear_ibuf [dreg:s7], $0x2FFFF;
	_ =	strace $0x9FFFFFFF  }
0xc2: {  	(tm) =	ssettm $0x7FFFFFFF  }
0xc3: {  	_ =	shalt  }
tec
execute0_lowered:
.L_overlay_start_1:
0x0: {  	(tag) =	ssettag $0x1  }
0x1: {  	s1 =	srdreg.scid;
	s3 =	rddreg [dreg:$0x0]  }
0x2: {  	s0 =	stileid.u32;
	s5 =	rddreg [dreg:$0x1]  }
0x3: {  	s2 =	simm.s32 $0x0;
	s9 =	simm.s32 $0x6800;
	s10 =	simm.s32 $0x68  }
0x4: {  	s11 =	simm.s32 $0x8100;
	s12 =	simm.s32 $0xD0;
	s13 =	simm.s32 $0x9A00  }
0x5: {  	s14 =	simm.s32 $0x138;
	s15 =	simm.s32 $0xB300;
	s16 =	simm.s32 $0x1  }
0x6: {  	s17 =	simm.s32 $0x2;
	s18 =	simm.s32 $0x3;
	s19 =	simm.s32 $0x4  }
0x7: {  	s20 =	simm.s32 $0xCC00;
	s4 =	sand.u32 $0x1, s1;
	s1 =	rddreg [dreg:$0x2]  }
0x8: {  	s21 =	simm.s32 $0x0;
	s31 =	sshll.u32 s0, $0x1;
	[smem:$0x7FF] =	sst s2  }
.Ltmp0:
0x9: {  	s6 =	sor.u32 s4, s31;
	s4 =	ssub.s32 $0x2, s4;
	(pc) =	sbr.rel .LBB2_1-.Ltmp0, $4  }
0xa: {  	s7 =	smul.u32 $0xD00, s6;
	s8 =	sshrl.u32 s4, $0x1;
	s6 =	sshll.u32 s6, $0xA  }
0xb: {  	_ =	strace $0x80000047;
	s8 =	ssub.s32 s4, s8;
	s5 =	sadd.s32 s5, s6  }
0xc: {  	s7 =	sadd.s32 s7, s3;
	s3 =	sadd.s32 $0x1A400, s3;
	s6 =	smax.u32 s8, $0x1  }
0xd: {  	s8 =	simm.s32 $0x64;
	s4 =	sadd.s32 $0x400, s7;
	s7 =	simm.s32 $0x5  }
.LBB2_12:
0xe: {  	[tilespmem:s23+$0xCC40] =	vst v14  }
0xf: {  	[tilespmem:s23+$0xCC50] =	vst v2;
	s21 =	sadd.s32 $0x1, s21  }
0x10: {  	[tilespmem:s23+$0xCC60] =	vst v1;
	p0 =	sne.s32 s21, s6  }
.Ltmp1:
0x11: {  	[tilespmem:s23+$0xCC70] =	vst v0;
	(pc) =	sbr.rel @!p0 .LBB2_13-.Ltmp1, $4  }
0x12: {  	[hbm4b:s5+s2] =	stream.linear.scatter [tilespmem:s20], [sflag:$0x5], $0x2000, $0x38;
	[tilespmem:$0xEC00] =	vst v63  }
0x13: {  	_ =	swait.ge [sflag:s7], $0x2000  }
0x14: {  	[sflag:s7] =	ssyncset.done $0x0  }
0x15: {  	[sflag:s7] =	ssyncadd.s32 $0xFFFFE000  }
.LBB2_1:
0x16: {  	[tilespmem:s2], [sflag:$0x5] =	stream.linear.gather [hbm4b:s4+s2], $0x6800, $0x38;
	[tilespmem:$0xEC00] =	vst v63  }
0x17: {  	_ =	swait.ge [sflag:s7], $0x6800  }
0x18: {  	[sflag:s7] =	ssyncset.done $0x0  }
0x19: {  	[sflag:s7] =	ssyncadd.s32 $0xFFFF9800  }
0x1a: {  	[tilespmem:s9], [sflag:$0x1] =	stream.indirect.gather [hbm4b:s3+s8], $0x40, s2, s8, $0xb8;
	[tilespmem:$0xEC00] =	vst v63  }
0x1b: {  	_ = 	snop  }
0x1c: {  	[tilespmem:s11], [sflag:$0x2] =	stream.indirect.gather [hbm4b:s3+s8], $0x40, s10, s8, $0xb8;
	[tilespmem:$0xEC00] =	vst v63  }
0x1d: {  	_ = 	snop  }
0x1e: {  	[tilespmem:s13], [sflag:$0x3] =	stream.indirect.gather [hbm4b:s3+s8], $0x40, s12, s8, $0xb8;
	[tilespmem:$0xEC00] =	vst v63  }
0x1f: {  	s22 =	simm.s32 $0x0  }
0x20: {  	[tilespmem:s15], [sflag:$0x4] =	stream.indirect.gather [hbm4b:s3+s8], $0x40, s14, s8, $0xb8;
	[tilespmem:$0xEC00] =	vst v63  }
.LBB2_2:
0x21: {  	_ =	swait.ge [sflag:s16], $0x1900  }
0x22: {  	[sflag:s16] =	ssyncset.done $0x0  }
0x23: {  	s23 =	simm.s32 $0x0;
	[sflag:s16] =	ssyncadd.s32 $0xFFFFE700  }
0x24: {  	v16 =	vld [tilespmem:s23+$0x6A40]  }
0x25: {  	v0 =	vld [tilespmem:s23+$0x6A50]  }
0x26: {  	v1 =	vld [tilespmem:s23+$0x6A60]  }
0x27: {  	v22 =	vld [tilespmem:s23+$0x6A00]  }
0x28: {  	v4 =	vld [tilespmem:s23+$0x6A10]  }
0x29: {  	v5 =	vld [tilespmem:s23+$0x6A20]  }
0x2a: {  	v26 =	vld [tilespmem:s23+$0x69C0]  }
0x2b: {  	v8 =	vld [tilespmem:s23+$0x69D0]  }
0x2c: {  	v9 =	vld [tilespmem:s23+$0x69E0]  }
0x2d: {  	v33 =	vld [tilespmem:s23+$0x6980]  }
0x2e: {  	v12 =	vld [tilespmem:s23+$0x6990]  }
0x2f: {  	v14 =	vld [tilespmem:s23+$0x69A0]  }
0x30: {  	v20 =	vld [tilespmem:s23+$0x6940]  }
0x31: {  	v18 =	vld [tilespmem:s23+$0x6950]  }
0x32: {  	v19 =	vld [tilespmem:s23+$0x6960]  }
0x33: {  	v2 =	vld [tilespmem:s23+$0x6900]  }
0x34: {  	v24 =	vld [tilespmem:s23+$0x6910]  }
0x35: {  	v25 =	vld [tilespmem:s23+$0x6920]  }
0x36: {  	v3 =	vld [tilespmem:s23+$0x68C0]  }
0x37: {  	v28 =	vld [tilespmem:s23+$0x68D0]  }
0x38: {  	v6 =	vld [tilespmem:s23+$0x6800]  }
0x39: {  	v7 =	vld [tilespmem:s23+$0x6840]  }
0x3a: {  	v10 =	vld [tilespmem:s23+$0x6880]  }
0x3b: {  	v32 =	vld [tilespmem:s23+$0x68E0]  }
0x3c: {  	v27 =	vimm.f32 $-Inf;
	v35 =	vld [tilespmem:s23+$0x6890]  }
0x3d: {  	v36 =	vld [tilespmem:s23+$0x68A0];
	v6 =	vmax.f32 v27, v6  }
0x3e: {  	v38 =	vld [tilespmem:s23+$0x6850];
	v6 =	vmax.f32 v6, v7  }
0x3f: {  	v39 =	vld [tilespmem:s23+$0x6860];
	v6 =	vmax.f32 v6, v10  }
0x40: {  	v40 =	vld [tilespmem:s23+$0x6810];
	v3 =	vmax.f32 v6, v3  }
0x41: {  	s24 =	simm.s32 $0xA00;
	v31 =	vimm.f32 $-Inf;
	v30 =	vimm.f32 $-Inf;
	v41 =	vld [tilespmem:s23+$0x6820];
	v42 =	vmax.f32 v3, v2  }
.LBB2_3:
0x42: {  	p0 =	sne.s32 s24, $0x5A00;
	v2 =	vld [tilespmem:s23+$0x6830];
	v3 =	vmax.f32 v42, v20  }
0x43: {  	v6 =	vld [tilespmem:s23+$0x6870];
	v3 =	vmax.f32 v3, v33  }
0x44: {  	v7 =	vld [tilespmem:s23+$0x68B0];
	v3 =	vmax.f32 v3, v26  }
0x45: {  	v10 =	vld [tilespmem:s23+$0x68F0];
	v3 =	vmax.f32 v3, v22  }
0x46: {  	v11 =	vld [tilespmem:s23+$0x6930];
	v3 =	vmax.f32 v3, v16  }
0x47: {  	v13 =	vmax.f32 v27, v40;
	v15 =	vmax.f32 v31, v41;
	v2 =	vmax.f32 v30, v2;
	v17 =	vld [tilespmem:s23+$0x6970]  }
0x48: {  	v13 =	vmax.f32 v13, v38;
	v15 =	vmax.f32 v15, v39;
	v2 =	vmax.f32 v2, v6;
	v6 =	vld [tilespmem:s23+$0x69B0]  }
0x49: {  	v13 =	vmax.f32 v13, v35;
	v15 =	vmax.f32 v15, v36;
	v2 =	vmax.f32 v2, v7;
	v7 =	vld [tilespmem:s23+$0x69F0]  }
0x4a: {  	v13 =	vmax.f32 v13, v28;
	v15 =	vmax.f32 v15, v32;
	v2 =	vmax.f32 v2, v10;
	v10 =	vld [tilespmem:s23+$0x6A30]  }
0x4b: {  	v13 =	vmax.f32 v13, v24;
	v15 =	vmax.f32 v15, v25;
	v2 =	vmax.f32 v2, v11;
	v11 =	vld [tilespmem:s23+$0x6A70];
	s23 =	sshra.s32 s24, $0x2  }
0x4c: {  	v13 =	vmax.f32 v13, v18;
	v15 =	vmax.f32 v15, v19;
	v16 =	vld [tilespmem:s23+$0x6A40];
	v2 =	vmax.f32 v2, v17  }
0x4d: {  	v12 =	vmax.f32 v13, v12;
	v13 =	vmax.f32 v15, v14;
	v17 =	vld [tilespmem:s23+$0x6A50];
	v2 =	vmax.f32 v2, v6  }
0x4e: {  	v8 =	vmax.f32 v12, v8;
	v9 =	vmax.f32 v13, v9;
	v6 =	vld [tilespmem:s23+$0x6A60];
	v2 =	vmax.f32 v2, v7  }
0x4f: {  	v7 =	vmax.f32 v8, v4;
	v5 =	vmax.f32 v9, v5;
	v22 =	vld [tilespmem:s23+$0x6A00];
	v2 =	vmax.f32 v2, v10  }
0x50: {  	v27 =	vmax.f32 v7, v0;
	v31 =	vmax.f32 v5, v1;
	v4 =	vld [tilespmem:s23+$0x6A10];
	v30 =	vmax.f32 v2, v11  }
0x51: {  	v5 =	vld [tilespmem:s23+$0x6A20]  }
0x52: {  	v26 =	vld [tilespmem:s23+$0x69C0];
	v0 =	vmov v17  }
0x53: {  	v8 =	vld [tilespmem:s23+$0x69D0];
	v1 =	vmov v6  }
0x54: {  	v9 =	vld [tilespmem:s23+$0x69E0]  }
0x55: {  	v33 =	vld [tilespmem:s23+$0x6980]  }
0x56: {  	v12 =	vld [tilespmem:s23+$0x6990]  }
0x57: {  	v14 =	vld [tilespmem:s23+$0x69A0]  }
0x58: {  	v20 =	vld [tilespmem:s23+$0x6940]  }
0x59: {  	v18 =	vld [tilespmem:s23+$0x6950]  }
0x5a: {  	v19 =	vld [tilespmem:s23+$0x6960]  }
0x5b: {  	v2 =	vld [tilespmem:s23+$0x6900]  }
0x5c: {  	v24 =	vld [tilespmem:s23+$0x6910]  }
0x5d: {  	v25 =	vld [tilespmem:s23+$0x6920]  }
0x5e: {  	v6 =	vld [tilespmem:s23+$0x68C0]  }
0x5f: {  	v28 =	vld [tilespmem:s23+$0x68D0]  }
0x60: {  	v7 =	vld [tilespmem:s23+$0x6800]  }
0x61: {  	v10 =	vld [tilespmem:s23+$0x6840]  }
0x62: {  	v11 =	vld [tilespmem:s23+$0x6880]  }
0x63: {  	v32 =	vld [tilespmem:s23+$0x68E0]  }
0x64: {  	v35 =	vld [tilespmem:s23+$0x6890]  }
.Ltmp2:
0x65: {  	v3 =	vmax.f32 v3, v7;
	v36 =	vld [tilespmem:s23+$0x68A0];
	(pc) =	sbr.rel @p0 .LBB2_3-.Ltmp2, $4  }
0x66: {  	v3 =	vmax.f32 v3, v10;
	v38 =	vld [tilespmem:s23+$0x6850]  }
0x67: {  	v39 =	vld [tilespmem:s23+$0x6860];
	v3 =	vmax.f32 v3, v11  }
0x68: {  	v40 =	vld [tilespmem:s23+$0x6810];
	v3 =	vmax.f32 v3, v6  }
0x69: {  	s24 =	sadd.s32 $0xA00, s24;
	v41 =	vld [tilespmem:s23+$0x6820];
	v42 =	vmax.f32 v3, v2  }
0x6a: {  	v43 =	vld [tilespmem:s23+$0x6830]  }
0x6b: {  	v44 =	vld [tilespmem:s23+$0x6870]  }
0x6c: {  	v45 =	vld [tilespmem:s23+$0x68B0]  }
0x6d: {  	v46 =	vld [tilespmem:s23+$0x68F0]  }
0x6e: {  	v47 =	vld [tilespmem:s23+$0x6930]  }
0x6f: {  	v48 =	vld [tilespmem:s23+$0x6970];
	p0 =	seq.s32 s22, $0x3F  }
0x70: {  	v49 =	vld [tilespmem:s23+$0x69B0];
	s24 =	smul.u32 @!p0 $0x680, s22  }
0x71: {  	v50 =	vld [tilespmem:s23+$0x69F0]  }
0x72: {  	v51 =	vld [tilespmem:s23+$0x6A30];
	s24 =	sshra.s32 @!p0 s24, $0x2  }
0x73: {  	v52 =	vld [tilespmem:s23+$0x6A70];
	s25 =	simm.s32 @!p0 $0x64;
	s26 =	simm.s32 @!p0 $0x6800;
	s23 =	sadd.s32 @!p0 $0x1A0, s24  }
0x74: {  	[tilespmem:s26], [sflag:$0x1] =	stream.indirect.gather @!p0 [hbm4b:s3+s25], $0x40, s23, s25, $0xb8;
	[tilespmem:$0xEC00] =	vst v63  }
0x75: {  	_ =	swait.ge [sflag:s17], $0x1900  }
0x76: {  	[sflag:s17] =	ssyncset.done $0x0  }
0x77: {  	s23 =	simm.s32 $0x0;
	[sflag:s17] =	ssyncadd.s32 $0xFFFFE700  }
0x78: {  	v17 =	vld [tilespmem:s23+$0x8340]  }
0x79: {  	v2 =	vld [tilespmem:s23+$0x8350]  }
0x7a: {  	v3 =	vld [tilespmem:s23+$0x8360]  }
0x7b: {  	v23 =	vld [tilespmem:s23+$0x8300]  }
0x7c: {  	v6 =	vld [tilespmem:s23+$0x8310]  }
0x7d: {  	v7 =	vld [tilespmem:s23+$0x8320]  }
0x7e: {  	v29 =	vld [tilespmem:s23+$0x82C0]  }
0x7f: {  	v10 =	vld [tilespmem:s23+$0x82D0]  }
0x80: {  	v11 =	vld [tilespmem:s23+$0x82E0]  }
0x81: {  	v34 =	vld [tilespmem:s23+$0x8280]  }
0x82: {  	v15 =	vld [tilespmem:s23+$0x8290]  }
0x83: {  	v13 =	vld [tilespmem:s23+$0x82A0]  }
0x84: {  	v37 =	vld [tilespmem:s23+$0x8240]  }
0x85: {  	v42 =	vmax.f32 v42, v20;
	v21 =	vld [tilespmem:s23+$0x8250]  }
0x86: {  	v33 =	vmax.f32 v42, v33;
	v20 =	vld [tilespmem:s23+$0x8260]  }
0x87: {  	v33 =	vmax.f32 v33, v26;
	v61 =	vld [tilespmem:s23+$0x8200]  }
0x88: {  	v33 =	vmax.f32 v33, v22;
	v26 =	vld [tilespmem:s23+$0x8210]  }
0x89: {  	v33 =	vmax.f32 v33, v16;
	v22 =	vld [tilespmem:s23+$0x8220]  }
0x8a: {  	v16 =	vmax.f32 v27, v40;
	v27 =	vmax.f32 v31, v41;
	v30 =	vmax.f32 v30, v43;
	v31 =	vld [tilespmem:s23+$0x81C0]  }
0x8b: {  	v38 =	vmax.f32 v16, v38;
	v27 =	vmax.f32 v27, v39;
	v30 =	vmax.f32 v30, v44;
	v16 =	vld [tilespmem:s23+$0x81D0]  }
0x8c: {  	v35 =	vmax.f32 v38, v35;
	v27 =	vmax.f32 v27, v36;
	v30 =	vmax.f32 v30, v45;
	v62 =	vld [tilespmem:s23+$0x8100]  }
0x8d: {  	v28 =	vmax.f32 v35, v28;
	v27 =	vmax.f32 v27, v32;
	v30 =	vmax.f32 v30, v46;
	v63 =	vld [tilespmem:s23+$0x8140]  }
0x8e: {  	v24 =	vmax.f32 v28, v24;
	v25 =	vmax.f32 v27, v25;
	v27 =	vld [tilespmem:s23+$0x8180];
	v28 =	vmax.f32 v30, v47  }
0x8f: {  	v24 =	vmax.f32 v24, v18;
	v19 =	vmax.f32 v25, v19;
	v18 =	vld [tilespmem:s23+$0x81E0];
	v25 =	vmax.f32 v28, v48  }
0x90: {  	v24 =	vmax.f32 v24, v12;
	v14 =	vmax.f32 v19, v14;
	v12 =	vld [tilespmem:s23+$0x8190];
	v19 =	vmax.f32 v25, v49  }
0x91: {  	v24 =	vmax.f32 v24, v8;
	v8 =	vld [tilespmem:s23+$0x81A0];
	v14 =	vmax.f32 v14, v9;
	v25 =	vmax.f32 v33, v62  }
0x92: {  	v9 =	vld [tilespmem:s23+$0x8150];
	v19 =	vmax.f32 v19, v50;
	v4 =	vmax.f32 v24, v4;
	v25 =	vmax.f32 v25, v63  }
0x93: {  	v24 =	vmax.f32 v14, v5;
	v5 =	vld [tilespmem:s23+$0x8160];
	v19 =	vmax.f32 v19, v51;
	v14 =	vmax.f32 v25, v27  }
0x94: {  	v4 =	vmax.f32 v4, v0;
	v0 =	vmax.f32 v19, v52;
	v19 =	vld [tilespmem:s23+$0x8120];
	v25 =	vmax.f32 v14, v31  }
0x95: {  	s25 =	simm.s32 $0xA00;
	v1 =	vmax.f32 v24, v1;
	v14 =	vld [tilespmem:s23+$0x8110];
	v24 =	vmax.f32 v25, v61  }
.LBB2_5:
0x96: {  	p1 =	sne.s32 s25, $0x5A00;
	v25 =	vld [tilespmem:s23+$0x8130];
	v24 =	vmax.f32 v24, v37  }
0x97: {  	v27 =	vld [tilespmem:s23+$0x8170];
	v24 =	vmax.f32 v24, v34  }
0x98: {  	v28 =	vld [tilespmem:s23+$0x81B0];
	v24 =	vmax.f32 v24, v29  }
0x99: {  	v29 =	vld [tilespmem:s23+$0x81F0];
	v23 =	vmax.f32 v24, v23  }
0x9a: {  	v24 =	vld [tilespmem:s23+$0x8230];
	v30 =	vmax.f32 v23, v17  }
0x9b: {  	v4 =	vmax.f32 v4, v14;
	v1 =	vmax.f32 v1, v19;
	v0 =	vmax.f32 v0, v25;
	v14 =	vld [tilespmem:s23+$0x8270]  }
0x9c: {  	v4 =	vmax.f32 v4, v9;
	v1 =	vmax.f32 v1, v5;
	v0 =	vmax.f32 v0, v27;
	v5 =	vld [tilespmem:s23+$0x82B0]  }
0x9d: {  	v4 =	vmax.f32 v4, v12;
	v1 =	vmax.f32 v1, v8;
	v0 =	vmax.f32 v0, v28;
	v8 =	vld [tilespmem:s23+$0x82F0]  }
0x9e: {  	v4 =	vmax.f32 v4, v16;
	v1 =	vmax.f32 v1, v18;
	v0 =	vmax.f32 v0, v29;
	v9 =	vld [tilespmem:s23+$0x8330]  }
0x9f: {  	v4 =	vmax.f32 v4, v26;
	v1 =	vmax.f32 v1, v22;
	v0 =	vmax.f32 v0, v24;
	v12 =	vld [tilespmem:s23+$0x8370];
	s23 =	sshra.s32 s25, $0x2  }
0xa0: {  	v4 =	vmax.f32 v4, v21;
	v1 =	vmax.f32 v1, v20;
	v17 =	vld [tilespmem:s23+$0x8340];
	v0 =	vmax.f32 v0, v14  }
0xa1: {  	v4 =	vmax.f32 v4, v15;
	v1 =	vmax.f32 v1, v13;
	v14 =	vld [tilespmem:s23+$0x8350];
	v0 =	vmax.f32 v0, v5  }
0xa2: {  	v4 =	vmax.f32 v4, v10;
	v1 =	vmax.f32 v1, v11;
	v5 =	vld [tilespmem:s23+$0x8360];
	v0 =	vmax.f32 v0, v8  }
0xa3: {  	v4 =	vmax.f32 v4, v6;
	v1 =	vmax.f32 v1, v7;
	v23 =	vld [tilespmem:s23+$0x8300];
	v0 =	vmax.f32 v0, v9  }
0xa4: {  	v4 =	vmax.f32 v4, v2;
	v1 =	vmax.f32 v1, v3;
	v6 =	vld [tilespmem:s23+$0x8310];
	v0 =	vmax.f32 v0, v12  }
0xa5: {  	v7 =	vld [tilespmem:s23+$0x8320]  }
0xa6: {  	v29 =	vld [tilespmem:s23+$0x82C0];
	v2 =	vmov v14  }
0xa7: {  	v10 =	vld [tilespmem:s23+$0x82D0];
	v3 =	vmov v5  }
0xa8: {  	v11 =	vld [tilespmem:s23+$0x82E0]  }
0xa9: {  	v34 =	vld [tilespmem:s23+$0x8280]  }
0xaa: {  	v15 =	vld [tilespmem:s23+$0x8290]  }
0xab: {  	v13 =	vld [tilespmem:s23+$0x82A0]  }
0xac: {  	v37 =	vld [tilespmem:s23+$0x8240]  }
0xad: {  	v21 =	vld [tilespmem:s23+$0x8250]  }
0xae: {  	v20 =	vld [tilespmem:s23+$0x8260]  }
0xaf: {  	v24 =	vld [tilespmem:s23+$0x8200]  }
0xb0: {  	v26 =	vld [tilespmem:s23+$0x8210]  }
0xb1: {  	v22 =	vld [tilespmem:s23+$0x8220]  }
0xb2: {  	v19 =	vld [tilespmem:s23+$0x81C0]  }
0xb3: {  	v16 =	vld [tilespmem:s23+$0x81D0]  }
0xb4: {  	v5 =	vld [tilespmem:s23+$0x8100]  }
0xb5: {  	v9 =	vld [tilespmem:s23+$0x8140]  }
0xb6: {  	v14 =	vld [tilespmem:s23+$0x8180]  }
0xb7: {  	v18 =	vld [tilespmem:s23+$0x81E0]  }
0xb8: {  	v12 =	vld [tilespmem:s23+$0x8190]  }
.Ltmp3:
0xb9: {  	v5 =	vmax.f32 v30, v5;
	v8 =	vld [tilespmem:s23+$0x81A0];
	(pc) =	sbr.rel @p1 .LBB2_5-.Ltmp3, $4  }
0xba: {  	v25 =	vmax.f32 v5, v9;
	v9 =	vld [tilespmem:s23+$0x8150]  }
0xbb: {  	v5 =	vld [tilespmem:s23+$0x8160];
	v25 =	vmax.f32 v25, v14  }
0xbc: {  	v14 =	vld [tilespmem:s23+$0x8110];
	v25 =	vmax.f32 v25, v19  }
0xbd: {  	s25 =	sadd.s32 $0xA00, s25;
	v19 =	vld [tilespmem:s23+$0x8120];
	v24 =	vmax.f32 v25, v24  }
0xbe: {  	v25 =	vld [tilespmem:s23+$0x8130];
	v24 =	vmax.f32 v24, v37  }
0xbf: {  	v27 =	vld [tilespmem:s23+$0x8170];
	v24 =	vmax.f32 v24, v34  }
0xc0: {  	v28 =	vld [tilespmem:s23+$0x81B0];
	v24 =	vmax.f32 v24, v29  }
0xc1: {  	v29 =	vld [tilespmem:s23+$0x81F0];
	v23 =	vmax.f32 v24, v23;
	v4 =	vmax.f32 v4, v14  }
0xc2: {  	v24 =	vld [tilespmem:s23+$0x8230];
	v14 =	vmax.f32 v23, v17;
	v1 =	vmax.f32 v1, v19;
	v4 =	vmax.f32 v4, v9  }
0xc3: {  	v17 =	vld [tilespmem:s23+$0x8270];
	v0 =	vmax.f32 v0, v25;
	v1 =	vmax.f32 v1, v5;
	v4 =	vmax.f32 v4, v12  }
0xc4: {  	v5 =	vld [tilespmem:s23+$0x82B0];
	v0 =	vmax.f32 v0, v27;
	v1 =	vmax.f32 v1, v8;
	v4 =	vmax.f32 v4, v16  }
0xc5: {  	v8 =	vld [tilespmem:s23+$0x82F0];
	v0 =	vmax.f32 v0, v28;
	v1 =	vmax.f32 v1, v18;
	v4 =	vmax.f32 v4, v26  }
0xc6: {  	s25 =	simm.s32 @!p0 $0x64;
	v9 =	vld [tilespmem:s23+$0x8330];
	v0 =	vmax.f32 v0, v29;
	v1 =	vmax.f32 v1, v22;
	v4 =	vmax.f32 v4, v21  }
0xc7: {  	s26 =	simm.s32 @!p0 $0x8100;
	s31 =	sshll.u32 s22, $0x7;
	v12 =	vld [tilespmem:s23+$0x8370];
	s23 =	sadd.s32 @!p0 $0x208, s24;
	v0 =	vmax.f32 v0, v24;
	v1 =	vmax.f32 v1, v20;
	v4 =	vmax.f32 v4, v15  }
0xc8: {  	[tilespmem:s26], [sflag:$0x2] =	stream.indirect.gather @!p0 [hbm4b:s3+s25], $0x40, s23, s25, $0xb8;
	v0 =	vmax.f32 v0, v17;
	v1 =	vmax.f32 v1, v13;
	v4 =	vmax.f32 v4, v10;
	[tilespmem:$0xEC00] =	vst v63  }
0xc9: {  	s23 =	sand.u32 $0x3FFFFF80, s31;
	v0 =	vmax.f32 v0, v5;
	v1 =	vmax.f32 v1, v11;
	v4 =	vmax.f32 v4, v6  }
0xca: {  	[tilespmem:s23+$0xCC00] =	vst v14;
	v0 =	vmax.f32 v0, v8;
	v1 =	vmax.f32 v1, v7;
	v2 =	vmax.f32 v4, v2  }
0xcb: {  	v0 =	vmax.f32 v0, v9;
	v1 =	vmax.f32 v1, v3;
	[tilespmem:s23+$0xCC10] =	vst v2  }
0xcc: {  	v0 =	vmax.f32 v0, v12;
	[tilespmem:s23+$0xCC20] =	vst v1  }
0xcd: {  	[tilespmem:s23+$0xCC30] =	vst v0  }
0xce: {  	_ =	swait.ge [sflag:s18], $0x1900  }
0xcf: {  	[sflag:s18] =	ssyncset.done $0x0  }
0xd0: {  	s25 =	simm.s32 $0x0;
	[sflag:s18] =	ssyncadd.s32 $0xFFFFE700  }
0xd1: {  	v17 =	vld [tilespmem:s25+$0x9C40]  }
0xd2: {  	v0 =	vld [tilespmem:s25+$0x9C50]  }
0xd3: {  	v1 =	vld [tilespmem:s25+$0x9C60]  }
0xd4: {  	v23 =	vld [tilespmem:s25+$0x9C00]  }
0xd5: {  	v2 =	vld [tilespmem:s25+$0x9C10]  }
0xd6: {  	v5 =	vld [tilespmem:s25+$0x9C20]  }
0xd7: {  	v26 =	vld [tilespmem:s25+$0x9BC0]  }
0xd8: {  	v8 =	vld [tilespmem:s25+$0x9BD0]  }
0xd9: {  	v9 =	vld [tilespmem:s25+$0x9BE0]  }
0xda: {  	v34 =	vld [tilespmem:s25+$0x9B80]  }
0xdb: {  	v12 =	vld [tilespmem:s25+$0x9B90]  }
0xdc: {  	v14 =	vld [tilespmem:s25+$0x9BA0]  }
0xdd: {  	v21 =	vld [tilespmem:s25+$0x9B40]  }
0xde: {  	v19 =	vld [tilespmem:s25+$0x9B50]  }
0xdf: {  	v20 =	vld [tilespmem:s25+$0x9B60]  }
0xe0: {  	v3 =	vld [tilespmem:s25+$0x9B00]  }
0xe1: {  	v24 =	vld [tilespmem:s25+$0x9B10]  }
0xe2: {  	v25 =	vld [tilespmem:s25+$0x9B20]  }
0xe3: {  	v4 =	vld [tilespmem:s25+$0x9AC0]  }
0xe4: {  	v29 =	vld [tilespmem:s25+$0x9AD0]  }
0xe5: {  	v6 =	vld [tilespmem:s25+$0x9A00]  }
0xe6: {  	v7 =	vld [tilespmem:s25+$0x9A40]  }
0xe7: {  	v10 =	vld [tilespmem:s25+$0x9A80]  }
0xe8: {  	v32 =	vld [tilespmem:s25+$0x9AE0]  }
0xe9: {  	v27 =	vimm.f32 $-Inf;
	v35 =	vld [tilespmem:s25+$0x9A90]  }
0xea: {  	v36 =	vld [tilespmem:s25+$0x9AA0];
	v6 =	vmax.f32 v27, v6  }
0xeb: {  	v38 =	vld [tilespmem:s25+$0x9A50];
	v6 =	vmax.f32 v6, v7  }
0xec: {  	v39 =	vld [tilespmem:s25+$0x9A60];
	v6 =	vmax.f32 v6, v10  }
0xed: {  	v40 =	vld [tilespmem:s25+$0x9A10];
	v4 =	vmax.f32 v6, v4  }
0xee: {  	v31 =	vimm.f32 $-Inf;
	v30 =	vimm.f32 $-Inf;
	s26 =	simm.s32 $0xA00;
	v41 =	vld [tilespmem:s25+$0x9A20];
	v42 =	vmax.f32 v4, v3  }
.LBB2_7:
0xef: {  	p1 =	sne.s32 s26, $0x5A00;
	v3 =	vld [tilespmem:s25+$0x9A30];
	v4 =	vmax.f32 v42, v21  }
0xf0: {  	v6 =	vld [tilespmem:s25+$0x9A70];
	v4 =	vmax.f32 v4, v34  }
0xf1: {  	v7 =	vld [tilespmem:s25+$0x9AB0];
	v4 =	vmax.f32 v4, v26  }
0xf2: {  	v10 =	vld [tilespmem:s25+$0x9AF0];
	v4 =	vmax.f32 v4, v23  }
0xf3: {  	v11 =	vld [tilespmem:s25+$0x9B30];
	v4 =	vmax.f32 v4, v17  }
0xf4: {  	v13 =	vmax.f32 v27, v40;
	v15 =	vmax.f32 v31, v41;
	v3 =	vmax.f32 v30, v3;
	v16 =	vld [tilespmem:s25+$0x9B70]  }
0xf5: {  	v13 =	vmax.f32 v13, v38;
	v15 =	vmax.f32 v15, v39;
	v3 =	vmax.f32 v3, v6;
	v6 =	vld [tilespmem:s25+$0x9BB0]  }
0xf6: {  	v13 =	vmax.f32 v13, v35;
	v15 =	vmax.f32 v15, v36;
	v3 =	vmax.f32 v3, v7;
	v7 =	vld [tilespmem:s25+$0x9BF0]  }
0xf7: {  	v13 =	vmax.f32 v13, v29;
	v15 =	vmax.f32 v15, v32;
	v3 =	vmax.f32 v3, v10;
	v10 =	vld [tilespmem:s25+$0x9C30]  }
0xf8: {  	v13 =	vmax.f32 v13, v24;
	v15 =	vmax.f32 v15, v25;
	v3 =	vmax.f32 v3, v11;
	v11 =	vld [tilespmem:s25+$0x9C70];
	s25 =	sshra.s32 s26, $0x2  }
0xf9: {  	v13 =	vmax.f32 v13, v19;
	v15 =	vmax.f32 v15, v20;
	v17 =	vld [tilespmem:s25+$0x9C40];
	v3 =	vmax.f32 v3, v16  }
0xfa: {  	v12 =	vmax.f32 v13, v12;
	v13 =	vmax.f32 v15, v14;
	v16 =	vld [tilespmem:s25+$0x9C50];
	v3 =	vmax.f32 v3, v6  }
0xfb: {  	v8 =	vmax.f32 v12, v8;
	v9 =	vmax.f32 v13, v9;
	v6 =	vld [tilespmem:s25+$0x9C60];
	v3 =	vmax.f32 v3, v7  }
0xfc: {  	v7 =	vmax.f32 v8, v2;
	v5 =	vmax.f32 v9, v5;
	v23 =	vld [tilespmem:s25+$0x9C00];
	v3 =	vmax.f32 v3, v10  }
0xfd: {  	v27 =	vmax.f32 v7, v0;
	v31 =	vmax.f32 v5, v1;
	v2 =	vld [tilespmem:s25+$0x9C10];
	v30 =	vmax.f32 v3, v11  }
0xfe: {  	v5 =	vld [tilespmem:s25+$0x9C20]  }
0xff: {  	v26 =	vld [tilespmem:s25+$0x9BC0];
	v0 =	vmov v16  }
0x100: {  	v8 =	vld [tilespmem:s25+$0x9BD0];
	v1 =	vmov v6  }
0x101: {  	v9 =	vld [tilespmem:s25+$0x9BE0]  }
0x102: {  	v34 =	vld [tilespmem:s25+$0x9B80]  }
0x103: {  	v12 =	vld [tilespmem:s25+$0x9B90]  }
0x104: {  	v14 =	vld [tilespmem:s25+$0x9BA0]  }
0x105: {  	v21 =	vld [tilespmem:s25+$0x9B40]  }
0x106: {  	v19 =	vld [tilespmem:s25+$0x9B50]  }
0x107: {  	v20 =	vld [tilespmem:s25+$0x9B60]  }
0x108: {  	v3 =	vld [tilespmem:s25+$0x9B00]  }
0x109: {  	v24 =	vld [tilespmem:s25+$0x9B10]  }
0x10a: {  	v25 =	vld [tilespmem:s25+$0x9B20]  }
0x10b: {  	v6 =	vld [tilespmem:s25+$0x9AC0]  }
0x10c: {  	v29 =	vld [tilespmem:s25+$0x9AD0]  }
0x10d: {  	v7 =	vld [tilespmem:s25+$0x9A00]  }
0x10e: {  	v10 =	vld [tilespmem:s25+$0x9A40]  }
0x10f: {  	v11 =	vld [tilespmem:s25+$0x9A80]  }
0x110: {  	v32 =	vld [tilespmem:s25+$0x9AE0]  }
0x111: {  	v35 =	vld [tilespmem:s25+$0x9A90]  }
.Ltmp4:
0x112: {  	v4 =	vmax.f32 v4, v7;
	v36 =	vld [tilespmem:s25+$0x9AA0];
	(pc) =	sbr.rel @p1 .LBB2_7-.Ltmp4, $4  }
0x113: {  	v4 =	vmax.f32 v4, v10;
	v38 =	vld [tilespmem:s25+$0x9A50]  }
0x114: {  	v39 =	vld [tilespmem:s25+$0x9A60];
	v4 =	vmax.f32 v4, v11  }
0x115: {  	v40 =	vld [tilespmem:s25+$0x9A10];
	v4 =	vmax.f32 v4, v6  }
0x116: {  	s26 =	sadd.s32 $0xA00, s26;
	v41 =	vld [tilespmem:s25+$0x9A20];
	v42 =	vmax.f32 v4, v3  }
0x117: {  	v43 =	vld [tilespmem:s25+$0x9A30]  }
0x118: {  	v44 =	vld [tilespmem:s25+$0x9A70]  }
0x119: {  	v45 =	vld [tilespmem:s25+$0x9AB0]  }
0x11a: {  	v46 =	vld [tilespmem:s25+$0x9AF0]  }
0x11b: {  	v47 =	vld [tilespmem:s25+$0x9B30]  }
0x11c: {  	v48 =	vld [tilespmem:s25+$0x9B70]  }
0x11d: {  	v49 =	vld [tilespmem:s25+$0x9BB0]  }
0x11e: {  	v50 =	vld [tilespmem:s25+$0x9BF0]  }
0x11f: {  	v51 =	vld [tilespmem:s25+$0x9C30]  }
0x120: {  	v52 =	vld [tilespmem:s25+$0x9C70];
	s24 =	sadd.s32 @!p0 $0x270, s24;
	s25 =	simm.s32 @!p0 $0x64;
	s26 =	simm.s32 @!p0 $0x9A00  }
0x121: {  	[tilespmem:s26], [sflag:$0x3] =	stream.indirect.gather @!p0 [hbm4b:s3+s25], $0x40, s24, s25, $0xb8;
	[tilespmem:$0xEC00] =	vst v63  }
0x122: {  	_ =	swait.ge [sflag:s19], $0x1900  }
0x123: {  	[sflag:s19] =	ssyncset.done $0x0  }
0x124: {  	s24 =	simm.s32 $0x0;
	[sflag:s19] =	ssyncadd.s32 $0xFFFFE700  }
0x125: {  	v16 =	vld [tilespmem:s24+$0xB540]  }
0x126: {  	v3 =	vld [tilespmem:s24+$0xB550]  }
0x127: {  	v4 =	vld [tilespmem:s24+$0xB560]  }
0x128: {  	v22 =	vld [tilespmem:s24+$0xB500]  }
0x129: {  	v6 =	vld [tilespmem:s24+$0xB510]  }
0x12a: {  	v7 =	vld [tilespmem:s24+$0xB520]  }
0x12b: {  	v28 =	vld [tilespmem:s24+$0xB4C0]  }
0x12c: {  	v10 =	vld [tilespmem:s24+$0xB4D0]  }
0x12d: {  	v11 =	vld [tilespmem:s24+$0xB4E0]  }
0x12e: {  	v33 =	vld [tilespmem:s24+$0xB480]  }
0x12f: {  	v13 =	vld [tilespmem:s24+$0xB490]  }
0x130: {  	v15 =	vld [tilespmem:s24+$0xB4A0]  }
0x131: {  	v37 =	vld [tilespmem:s24+$0xB440]  }
0x132: {  	v18 =	vld [tilespmem:s24+$0xB450]  }
0x133: {  	v42 =	vmax.f32 v42, v21;
	v21 =	vld [tilespmem:s24+$0xB460]  }
0x134: {  	v34 =	vmax.f32 v42, v34;
	v61 =	vld [tilespmem:s24+$0xB400]  }
0x135: {  	v34 =	vmax.f32 v34, v26;
	v26 =	vld [tilespmem:s24+$0xB410]  }
0x136: {  	v34 =	vmax.f32 v34, v23;
	v23 =	vld [tilespmem:s24+$0xB420]  }
0x137: {  	v34 =	vmax.f32 v34, v17;
	v17 =	vmax.f32 v27, v40;
	v27 =	vmax.f32 v31, v41;
	v31 =	vld [tilespmem:s24+$0xB3C0]  }
0x138: {  	v30 =	vmax.f32 v30, v43;
	v38 =	vmax.f32 v17, v38;
	v27 =	vmax.f32 v27, v39;
	v17 =	vld [tilespmem:s24+$0xB3D0]  }
0x139: {  	v62 =	vld [tilespmem:s24+$0xB300];
	v30 =	vmax.f32 v30, v44;
	v35 =	vmax.f32 v38, v35;
	v27 =	vmax.f32 v27, v36  }
0x13a: {  	v63 =	vld [tilespmem:s24+$0xB340];
	v30 =	vmax.f32 v30, v45;
	v29 =	vmax.f32 v35, v29;
	v27 =	vmax.f32 v27, v32  }
0x13b: {  	v30 =	vmax.f32 v30, v46;
	v24 =	vmax.f32 v29, v24;
	v25 =	vmax.f32 v27, v25;
	v27 =	vld [tilespmem:s24+$0xB380]  }
0x13c: {  	v29 =	vmax.f32 v30, v47;
	v24 =	vmax.f32 v24, v19;
	v20 =	vmax.f32 v25, v20;
	v19 =	vld [tilespmem:s24+$0xB3E0]  }
0x13d: {  	v25 =	vmax.f32 v29, v48;
	v24 =	vmax.f32 v24, v12;
	v14 =	vmax.f32 v20, v14;
	v12 =	vld [tilespmem:s24+$0xB390]  }
0x13e: {  	v20 =	vmax.f32 v25, v49;
	v24 =	vmax.f32 v24, v8;
	v25 =	vmax.f32 v34, v62;
	v8 =	vld [tilespmem:s24+$0xB3A0]  }
0x13f: {  	v14 =	vmax.f32 v14, v9;
	v9 =	vld [tilespmem:s24+$0xB350];
	v20 =	vmax.f32 v20, v50;
	v25 =	vmax.f32 v25, v63  }
0x140: {  	v2 =	vmax.f32 v24, v2;
	v14 =	vmax.f32 v14, v5;
	v5 =	vld [tilespmem:s24+$0xB360];
	v24 =	vmax.f32 v25, v27  }
0x141: {  	v25 =	vmax.f32 v20, v51;
	v0 =	vmax.f32 v2, v0;
	v20 =	vld [tilespmem:s24+$0xB310];
	v27 =	vmax.f32 v24, v31  }
0x142: {  	s25 =	simm.s32 $0xA00;
	v1 =	vmax.f32 v14, v1;
	v2 =	vmax.f32 v25, v52;
	v24 =	vld [tilespmem:s24+$0xB320];
	v14 =	vmax.f32 v27, v61  }
.LBB2_9:
0x143: {  	p1 =	sne.s32 s25, $0x5A00;
	v25 =	vld [tilespmem:s24+$0xB330];
	v14 =	vmax.f32 v14, v37  }
0x144: {  	v27 =	vld [tilespmem:s24+$0xB370];
	v14 =	vmax.f32 v14, v33  }
0x145: {  	v29 =	vld [tilespmem:s24+$0xB3B0];
	v14 =	vmax.f32 v14, v28  }
0x146: {  	v28 =	vld [tilespmem:s24+$0xB3F0];
	v14 =	vmax.f32 v14, v22  }
0x147: {  	v22 =	vld [tilespmem:s24+$0xB430];
	v14 =	vmax.f32 v14, v16  }
0x148: {  	v0 =	vmax.f32 v0, v20;
	v1 =	vmax.f32 v1, v24;
	v2 =	vmax.f32 v2, v25;
	v20 =	vld [tilespmem:s24+$0xB470]  }
0x149: {  	v0 =	vmax.f32 v0, v9;
	v1 =	vmax.f32 v1, v5;
	v2 =	vmax.f32 v2, v27;
	v5 =	vld [tilespmem:s24+$0xB4B0]  }
0x14a: {  	v0 =	vmax.f32 v0, v12;
	v1 =	vmax.f32 v1, v8;
	v2 =	vmax.f32 v2, v29;
	v8 =	vld [tilespmem:s24+$0xB4F0]  }
0x14b: {  	v0 =	vmax.f32 v0, v17;
	v1 =	vmax.f32 v1, v19;
	v2 =	vmax.f32 v2, v28;
	v9 =	vld [tilespmem:s24+$0xB530]  }
0x14c: {  	v0 =	vmax.f32 v0, v26;
	v1 =	vmax.f32 v1, v23;
	v2 =	vmax.f32 v2, v22;
	v12 =	vld [tilespmem:s24+$0xB570];
	s24 =	sshra.s32 s25, $0x2  }
0x14d: {  	v0 =	vmax.f32 v0, v18;
	v1 =	vmax.f32 v1, v21;
	v16 =	vld [tilespmem:s24+$0xB540];
	v2 =	vmax.f32 v2, v20  }
0x14e: {  	v0 =	vmax.f32 v0, v13;
	v1 =	vmax.f32 v1, v15;
	v17 =	vld [tilespmem:s24+$0xB550];
	v2 =	vmax.f32 v2, v5  }
0x14f: {  	v0 =	vmax.f32 v0, v10;
	v1 =	vmax.f32 v1, v11;
	v5 =	vld [tilespmem:s24+$0xB560];
	v2 =	vmax.f32 v2, v8  }
0x150: {  	v0 =	vmax.f32 v0, v6;
	v1 =	vmax.f32 v1, v7;
	v22 =	vld [tilespmem:s24+$0xB500];
	v2 =	vmax.f32 v2, v9  }
0x151: {  	v0 =	vmax.f32 v0, v3;
	v1 =	vmax.f32 v1, v4;
	v6 =	vld [tilespmem:s24+$0xB510];
	v2 =	vmax.f32 v2, v12  }
0x152: {  	v7 =	vld [tilespmem:s24+$0xB520]  }
0x153: {  	v28 =	vld [tilespmem:s24+$0xB4C0];
	v3 =	vmov v17  }
0x154: {  	v10 =	vld [tilespmem:s24+$0xB4D0];
	v4 =	vmov v5  }
0x155: {  	v11 =	vld [tilespmem:s24+$0xB4E0]  }
0x156: {  	v33 =	vld [tilespmem:s24+$0xB480]  }
0x157: {  	v13 =	vld [tilespmem:s24+$0xB490]  }
0x158: {  	v15 =	vld [tilespmem:s24+$0xB4A0]  }
0x159: {  	v37 =	vld [tilespmem:s24+$0xB440]  }
0x15a: {  	v18 =	vld [tilespmem:s24+$0xB450]  }
0x15b: {  	v21 =	vld [tilespmem:s24+$0xB460]  }
0x15c: {  	v25 =	vld [tilespmem:s24+$0xB400]  }
0x15d: {  	v26 =	vld [tilespmem:s24+$0xB410]  }
0x15e: {  	v23 =	vld [tilespmem:s24+$0xB420]  }
0x15f: {  	v24 =	vld [tilespmem:s24+$0xB3C0]  }
0x160: {  	v17 =	vld [tilespmem:s24+$0xB3D0]  }
0x161: {  	v5 =	vld [tilespmem:s24+$0xB300]  }
0x162: {  	v9 =	vld [tilespmem:s24+$0xB340]  }
0x163: {  	v20 =	vld [tilespmem:s24+$0xB380]  }
0x164: {  	v19 =	vld [tilespmem:s24+$0xB3E0]  }
0x165: {  	v12 =	vld [tilespmem:s24+$0xB390]  }
.Ltmp5:
0x166: {  	v5 =	vmax.f32 v14, v5;
	v8 =	vld [tilespmem:s24+$0xB3A0];
	(pc) =	sbr.rel @p1 .LBB2_9-.Ltmp5, $4  }
0x167: {  	v14 =	vmax.f32 v5, v9;
	v9 =	vld [tilespmem:s24+$0xB350]  }
0x168: {  	v5 =	vld [tilespmem:s24+$0xB360];
	v14 =	vmax.f32 v14, v20  }
0x169: {  	v20 =	vld [tilespmem:s24+$0xB310];
	v14 =	vmax.f32 v14, v24  }
0x16a: {  	s25 =	sadd.s32 $0xA00, s25;
	v24 =	vld [tilespmem:s24+$0xB320];
	v14 =	vmax.f32 v14, v25  }
0x16b: {  	v25 =	vld [tilespmem:s24+$0xB330]  }
0x16c: {  	v14 =	vmax.f32 v14, v37;
	v27 =	vld [tilespmem:s24+$0xB370]  }
0x16d: {  	v29 =	vld [tilespmem:s24+$0xB3B0];
	v14 =	vmax.f32 v14, v33  }
0x16e: {  	v57 =	vld [tilespmem:s24+$0xB3F0];
	v14 =	vmax.f32 v14, v28  }
0x16f: {  	v58 =	vld [tilespmem:s24+$0xB430];
	v14 =	vmax.f32 v14, v22;
	v0 =	vmax.f32 v0, v20  }
0x170: {  	v59 =	vld [tilespmem:s24+$0xB470];
	v14 =	vmax.f32 v14, v16;
	v1 =	vmax.f32 v1, v24;
	v2 =	vmax.f32 v2, v25  }
0x171: {  	v60 =	vld [tilespmem:s24+$0xB4B0];
	v0 =	vmax.f32 v0, v9;
	v1 =	vmax.f32 v1, v5;
	v2 =	vmax.f32 v2, v27  }
0x172: {  	v61 =	vld [tilespmem:s24+$0xB4F0];
	v0 =	vmax.f32 v0, v12;
	v1 =	vmax.f32 v1, v8;
	v2 =	vmax.f32 v2, v29  }
0x173: {  	v62 =	vld [tilespmem:s24+$0xB530];
	v0 =	vmax.f32 v0, v17;
	v1 =	vmax.f32 v1, v19;
	v2 =	vmax.f32 v2, v57  }
0x174: {  	v12 =	vld [tilespmem:s24+$0xB570];
	v0 =	vmax.f32 v0, v26;
	v1 =	vmax.f32 v1, v23;
	v2 =	vmax.f32 v2, v58  }
.Ltmp6:
0x175: {  	v0 =	vmax.f32 v0, v18;
	v1 =	vmax.f32 v1, v21;
	v2 =	vmax.f32 v2, v59;
	(pc) =	sbr.rel @p0 .LBB2_12-.Ltmp6, $4  }
0x176: {  	v0 =	vmax.f32 v0, v13;
	v1 =	vmax.f32 v1, v15;
	v2 =	vmax.f32 v2, v60  }
0x177: {  	v0 =	vmax.f32 v0, v10;
	v1 =	vmax.f32 v1, v11;
	v2 =	vmax.f32 v2, v61  }
0x178: {  	v0 =	vmax.f32 v0, v6;
	v1 =	vmax.f32 v1, v7;
	v63 =	vmax.f32 v2, v62  }
0x179: {  	v2 =	vmax.f32 v0, v3;
	v1 =	vmax.f32 v1, v4;
	v0 =	vmax.f32 v63, v12  }
0x17a: {  	s24 =	smul.u32 $0x680, s22;
	_ =	sdelay $0x1  }
0x17b: {  	s24 =	sshra.s32 s24, $0x2  }
0x17c: {  	s24 =	sadd.s32 $0x2D8, s24  }
0x17d: {  	[tilespmem:s15], [sflag:$0x4] =	stream.indirect.gather [hbm4b:s3+s8], $0x40, s24, s8, $0xb8;
	[tilespmem:$0xEC00] =	vst v63  }
.Ltmp7:
0x17e: {  	_ = 	snop;
	(pc) =	sbr.rel .LBB2_2-.Ltmp7, $4  }
0x17f: {  	[tilespmem:s23+$0xCC40] =	vst v14  }
0x180: {  	[tilespmem:s23+$0xCC50] =	vst v2  }
0x181: {  	[tilespmem:s23+$0xCC60] =	vst v1  }
0x182: {  	s22 =	sadd.s32 $0x1, s22;
	[tilespmem:s23+$0xCC70] =	vst v0  }
.LBB2_13:
0x183: {  	_ =	sfence.sel $0x180000  }
0x184: {  	[bflag:$0x0] =	sbarrier.arrive $0xFFFF  }
0x185: {  	p0 =	sne.s32 s0, $0x0;
	_ =	strace $0x90000047  }
0x186: {  	s0 =	sadd.s32 @!p0 $0x100000, s1;
	[bflag:$0x2] =	sbarrier.arrive $0xFFFF  }
0x187: {  	[sflag:s0] =	ssyncadd.tile.s32 @!p0 $0x1;
	_ =	shalt  }
.Lfunc_end2:
_tile_overlayer_lowered:
.L_overlay_start_2:
0x188: {  	(tag) =	ssettag $0x2  }
0x189: {  	s0 =	rddreg [dreg:$0x0];
	s2 =	stileid.u32  }
0x18a: {  	s1 =	rddreg [dreg:$0x1];
	p0 =	sne.s32 s2, $0x0  }
0x18b: {  	s3 =	rddreg [dreg:$0x2];
	[bflag:$0x3] =	sbarrier.arrive $0xFFFF;
	s2 =	simm.s32 @!p0 $0x1C05  }
0x18c: {  	[timem:s3], [sflag:s2] =	dma.local @!p0 [hbm:s0], s1  }
0x18d: {  	s0 =	simm.s32 @!p0 $0x5  }
0x18e: {  	_ =	swait.ge @!p0 [sflag:s0], s1  }
0x18f: {  	s1 =	ssub.s32 @!p0 $0x0, s1;
	[sflag:s0] =	ssyncset.done @!p0 $0x0  }
0x190: {  	[sflag:s0] =	ssyncadd.s32 @!p0 s1  }
0x191: {  	[bflag:$0x3] =	sbarrier.arrive $0xFFFF  }
0x192: {  	_ =	shalt  }

</sc_bundles>
